<compile_context>
chip_gen: v7x
topology: tpu7x:2x2x1
jax: 0.10.2.dev20260603
libtpu: 0.0.44.dev20260713+nightly
codegen_flags: <defaults>
</compile_context>

<pallas_src>
import functools

import jax
import jax.numpy as jnp
from jax import lax
from jax.experimental import pallas as pl
from jax.experimental.pallas import tpu as pltpu
from jax.experimental.pallas import tpu_sc as plsc

NUSERS = 25000
NITEMS = 25000
EDGES = 800000
D = 64
BATCH = 128
NW = 32
EPT = 25008
EPAD = EPT * NW
CHUNK = 8336
NCHUNK = EPT // CHUNK
INVSZ = 25008
MLP_BLK = 8336
MLP_GRID = EPAD // MLP_BLK


def _mlp_body(ef_ref, w1_ref, b1_ref, w2_ref, b2_ref, out_ref):
    i = pl.program_id(0)
    f = ef_ref[...]
    h = jnp.dot(f, w1_ref[...], preferred_element_type=jnp.float32)
    h = jnp.maximum(h + b1_ref[...], 0.0)
    y = jnp.dot(h, w2_ref[...], preferred_element_type=jnp.float32)
    w = jax.nn.sigmoid(y + b2_ref[...])
    rowid = i * MLP_BLK + lax.broadcasted_iota(jnp.int32, (MLP_BLK, 1), 0)
    out_ref[...] = jnp.where(rowid < EDGES, w, 0.0)


def _edge_mlp(ef_pad, w1, b1, w2, b2):
    return pl.pallas_call(
        _mlp_body,
        grid=(MLP_GRID,),
        in_specs=[
            pl.BlockSpec((MLP_BLK, 5), lambda i: (i, 0)),
            pl.BlockSpec((5, 32), lambda i: (0, 0)),
            pl.BlockSpec((1, 32), lambda i: (0, 0)),
            pl.BlockSpec((32, 1), lambda i: (0, 0)),
            pl.BlockSpec((1, 1), lambda i: (0, 0)),
        ],
        out_specs=pl.BlockSpec((MLP_BLK, 1), lambda i: (i, 0)),
        out_shape=jax.ShapeDtypeStruct((EPAD, 1), jnp.float32),
    )(ef_pad, w1, b1, w2, b2)


def _canon_body(uid_ref, iid_ref, cu_ref, ci_ref):
    def canon(v):
        eq = jnp.transpose(v) == v
        col = lax.broadcasted_iota(jnp.int32, (BATCH, BATCH), 1)
        first = jnp.min(jnp.where(eq, col, BATCH), axis=1)
        return first[None, :]

    cu_ref[...] = canon(uid_ref[...])
    ci_ref[...] = canon(iid_ref[...])


def _canon(uid, iid):
    return pl.pallas_call(
        _canon_body,
        out_shape=(
            jax.ShapeDtypeStruct((1, BATCH), jnp.int32),
            jax.ShapeDtypeStruct((1, BATCH), jnp.int32),
        ),
    )(uid, iid)


def _sc_body(src_hbm, dst_hbm, ew_hbm, uid_hbm, iid_hbm, cu_hbm, ci_hbm,
             uemb_hbm, audio_hbm, artid_hbm, albid_hbm, aemb_hbm, albemb_hbm,
             wout_hbm, urows_hbm, audrows_hbm, artrows_hbm, albrows_hbm,
             inv_u, inv_i, srcb, dstb, ewb, wacc,
             uidb, iidb, cub, cib, gidx, grows, sem):
    c = lax.axis_index("c")
    s = lax.axis_index("s")
    wid = c * 16 + s
    lane = lax.iota(jnp.int32, 16)

    neg1 = jnp.full((16,), -1, jnp.int32)

    def _init(i, _):
        inv_u[pl.ds(i * 16, 16)] = neg1
        inv_i[pl.ds(i * 16, 16)] = neg1
        return 0

    lax.fori_loop(0, INVSZ // 16, _init, 0)

    pltpu.sync_copy(uid_hbm, uidb)
    pltpu.sync_copy(iid_hbm, iidb)
    pltpu.sync_copy(cu_hbm, cub)
    pltpu.sync_copy(ci_hbm, cib)

    for g in range(BATCH // 16):
        u16 = uidb[pl.ds(g * 16, 16)]
        i16 = iidb[pl.ds(g * 16, 16)]
        cu16 = cub[pl.ds(g * 16, 16)]
        ci16 = cib[pl.ds(g * 16, 16)]
        for l in range(16):
            ml = lane == l
            plsc.store_scatter(inv_u, [u16], cu16, mask=ml)
            plsc.store_scatter(inv_i, [i16], ci16, mask=ml)

    zero16 = jnp.zeros((16,), jnp.float32)

    def _zero(i, _):
        wacc[pl.ds(i * 16, 16)] = zero16
        return 0

    lax.fori_loop(0, (BATCH * BATCH) // 16, _zero, 0)

    base = wid * EPT

    def _chunk(k, _):
        off = base + k * CHUNK
        pltpu.sync_copy(src_hbm.at[pl.ds(off, CHUNK)], srcb)
        pltpu.sync_copy(dst_hbm.at[pl.ds(off, CHUNK)], dstb)
        pltpu.sync_copy(ew_hbm.at[pl.ds(off, CHUNK)], ewb)

        def _grp(g, _):
            s16 = srcb[pl.ds(g * 16, 16)]
            d16 = dstb[pl.ds(g * 16, 16)] - NUSERS
            w16 = ewb[pl.ds(g * 16, 16)]
            pu = plsc.load_gather(inv_u, [s16])
            pi = plsc.load_gather(inv_i, [d16])
            m = (pu >= 0) & (pi >= 0)
            cnt = jnp.sum(m.astype(jnp.int32))

            @pl.when(cnt > 0)
            def _():
                idx16 = pi * BATCH + pu
                for l in range(16):
                    ml = m & (lane == l)
                    plsc.addupdate_scatter(wacc, [idx16], w16, mask=ml)

            return 0

        lax.fori_loop(0, CHUNK // 16, _grp, 0)
        return 0

    lax.fori_loop(0, NCHUNK, _chunk, 0)

    pltpu.sync_copy(wacc, wout_hbm.at[wid])

    @pl.when(wid == 0)
    def _():
        pltpu.async_copy(uemb_hbm.at[uidb], grows, sem).wait()
        pltpu.sync_copy(grows, urows_hbm)
        pltpu.async_copy(audio_hbm.at[iidb], grows, sem).wait()
        pltpu.sync_copy(grows, audrows_hbm)
        pltpu.async_copy(artid_hbm.at[iidb], gidx, sem).wait()
        pltpu.async_copy(aemb_hbm.at[gidx], grows, sem).wait()
        pltpu.sync_copy(grows, artrows_hbm)
        pltpu.async_copy(albid_hbm.at[iidb], gidx, sem).wait()
        pltpu.async_copy(albemb_hbm.at[gidx], grows, sem).wait()
        pltpu.sync_copy(grows, albrows_hbm)


def _sc_stage(src_pad, dst_pad, ew_pad, user_idx, item_id, cu, ci,
              user_emb_w, item_audio_emb, artist_ids, album_ids,
              artist_emb_w, album_emb_w):
    mesh = plsc.VectorSubcoreMesh(core_axis_name="c", subcore_axis_name="s")
    fn = pl.kernel(
        _sc_body,
        out_type=(
            jax.ShapeDtypeStruct((NW, BATCH * BATCH), jnp.float32),
            jax.ShapeDtypeStruct((BATCH, D), jnp.float32),
            jax.ShapeDtypeStruct((BATCH, D), jnp.float32),
            jax.ShapeDtypeStruct((BATCH, D), jnp.float32),
            jax.ShapeDtypeStruct((BATCH, D), jnp.float32),
        ),
        mesh=mesh,
        compiler_params=pltpu.CompilerParams(needs_layout_passes=False,
                                             use_tc_tiling_on_sc=False),
        scratch_types=[
            pltpu.VMEM((INVSZ,), jnp.int32),
            pltpu.VMEM((INVSZ,), jnp.int32),
            pltpu.VMEM((CHUNK,), jnp.int32),
            pltpu.VMEM((CHUNK,), jnp.int32),
            pltpu.VMEM((CHUNK,), jnp.float32),
            pltpu.VMEM((BATCH * BATCH,), jnp.float32),
            pltpu.VMEM((BATCH,), jnp.int32),
            pltpu.VMEM((BATCH,), jnp.int32),
            pltpu.VMEM((BATCH,), jnp.int32),
            pltpu.VMEM((BATCH,), jnp.int32),
            pltpu.VMEM((BATCH,), jnp.int32),
            pltpu.VMEM((BATCH, D), jnp.float32),
            pltpu.SemaphoreType.DMA,
        ],
    )
    return fn(src_pad, dst_pad, ew_pad, user_idx, item_id, cu, ci,
              user_emb_w, item_audio_emb, artist_ids, album_ids,
              artist_emb_w, album_emb_w)


def _final_body(wp_ref, urows_ref, aud_ref, art_ref, alb_ref, aw_ref, ab_ref,
                uid_ref, iid_ref, pid_ref, rp_ref,
                uemb_ref, iemb_ref, loss_ref):
    W = jnp.sum(wp_ref[...], axis=0)

    x0u = urows_ref[...]
    item0 = aud_ref[...] + art_ref[...] + alb_ref[...]
    proj = jnp.dot(item0, aw_ref[...], preferred_element_type=jnp.float32)
    proj = proj + ab_ref[...]
    sq = jnp.sum(proj * proj, axis=1, keepdims=True)
    x0i = proj * lax.rsqrt(jnp.maximum(sq, 1e-24))

    deg_i = jnp.sum(W, axis=1, keepdims=True)
    dis_i = jnp.where(deg_i > 0, lax.rsqrt(jnp.maximum(deg_i, 1e-30)), 0.0)
    dis_u = jnp.zeros((1, BATCH), jnp.float32)
    P = dis_i * W * dis_u

    xu, xi = x0u, x0i
    for _ in range(3):
        xi_new = jnp.dot(P, xu, preferred_element_type=jnp.float32)
        xu_new = jnp.zeros_like(xu)
        xu, xi = xu_new, xi_new

    def nrm(x):
        s2 = jnp.sum(x * x, axis=1, keepdims=True)
        return x * lax.rsqrt(jnp.maximum(s2, 1e-24))

    xfu = nrm(xu)
    xfi = nrm(xi)

    uid = uid_ref[...]
    iid = iid_ref[...]
    pid = pid_ref[...]

    def first_match(q, v):
        eq = jnp.transpose(q) == v
        col = lax.broadcasted_iota(jnp.int32, (BATCH, BATCH), 1)
        first = jnp.min(jnp.where(eq, col, BATCH), axis=1, keepdims=True)
        return jnp.where(eq & (col == first), 1.0, 0.0)

    u_emb = jnp.dot(first_match(uid, uid), xfu,
                    preferred_element_type=jnp.float32)
    i_emb = jnp.dot(first_match(iid, iid), xfi,
                    preferred_element_type=jnp.float32)
    pos = jnp.dot(first_match(pid, iid), xfi,
                  preferred_element_type=jnp.float32)

    nu = jnp.sqrt(jnp.maximum(jnp.sum(u_emb * u_emb, axis=1), 1e-16))
    npos = jnp.sqrt(jnp.maximum(jnp.sum(pos * pos, axis=1), 1e-16))
    cos = jnp.sum(u_emb * pos, axis=1) / (nu * npos)
    loss = jnp.mean(1.0 - cos)
    rp = rp_ref[0, 0]
    uemb_ref[...] = u_emb
    iemb_ref[...] = i_emb
    loss_ref[...] = jnp.where(rp != 0, loss, 0.0).reshape(1, 1)


def _final(wpart, urows, audrows, artrows, albrows, adapter_w, adapter_b,
           uid, iid, pid, rp):
    return pl.pallas_call(
        _final_body,
        out_shape=(
            jax.ShapeDtypeStruct((BATCH, D), jnp.float32),
            jax.ShapeDtypeStruct((BATCH, D), jnp.float32),
            jax.ShapeDtypeStruct((1, 1), jnp.float32),
        ),
    )(wpart, urows, audrows, artrows, albrows, adapter_w, adapter_b,
      uid, iid, pid, rp)


def kernel(user_idx, item_id, pos_item_id, return_projections, user_emb_w,
           artist_emb_w, album_emb_w, adapter_w, adapter_b, mlp_w1, mlp_b1,
           mlp_w2, mlp_b2, item_audio_emb, artist_ids, album_ids, edge_index,
           edge_features):
    src = edge_index[0].astype(jnp.int32)
    dst = edge_index[1].astype(jnp.int32)
    pad = EPAD - EDGES
    src_pad = jnp.pad(src, (0, pad))
    dst_pad = jnp.pad(dst, (0, pad), constant_values=NUSERS)
    ef_pad = jnp.pad(edge_features.astype(jnp.float32), ((0, pad), (0, 0)))

    uid = user_idx.astype(jnp.int32)
    iid = item_id.astype(jnp.int32)
    pid = pos_item_id.astype(jnp.int32)

    ew = _edge_mlp(ef_pad, mlp_w1, mlp_b1.reshape(1, 32), mlp_w2,
                   mlp_b2.reshape(1, 1)).reshape(EPAD)

    cu, ci = _canon(uid.reshape(1, BATCH), iid.reshape(1, BATCH))

    wpart, urows, audrows, artrows, albrows = _sc_stage(
        src_pad, dst_pad, ew, uid, iid, cu.reshape(BATCH), ci.reshape(BATCH),
        user_emb_w, item_audio_emb, artist_ids.astype(jnp.int32),
        album_ids.astype(jnp.int32), artist_emb_w, album_emb_w)

    u_emb, i_emb, loss = _final(
        wpart.reshape(NW, BATCH, BATCH), urows, audrows, artrows, albrows,
        adapter_w, adapter_b.reshape(1, D),
        uid.reshape(1, BATCH), iid.reshape(1, BATCH), pid.reshape(1, BATCH),
        jnp.asarray(return_projections, jnp.int32).reshape(1, 1))

    return (u_emb, i_emb, loss.reshape(()))

# --- scband reference (transcript-rebuilt; emitter-appended) ---
"""Pipeline reference for scband-light-gcn-64476049047989 (READ-ONLY COPY).

The authoritative reference and input builder live on the scoring server;
editing this copy changes nothing except your own understanding.
"""

import jax, jax.numpy as jnp
import numpy as np

NUM_USERS = 25000
NUM_ITEMS = 25000
EMBED_DIM = 64
AUDIO_DIM = 64
NUM_ARTISTS = 5000
NUM_ALBUMS = 10000
NUM_EDGES = 800000
EDGE_FEAT_DIM = 5
HIDDEN_DIM = 32
NUM_LAYERS = 3
BATCH = 128


def setup_inputs(seed: int = 0):
    key = jax.random.key(seed)
    ks = jax.random.split(key, 16)
    user_idx = jax.random.randint(ks[0], (BATCH,), 0, NUM_USERS)
    item_id = jax.random.randint(ks[1], (BATCH,), 0, NUM_ITEMS)
    pos_item_id = jax.random.randint(ks[2], (BATCH,), 0, NUM_ITEMS)
    src = jax.random.randint(ks[3], (NUM_EDGES,), 0, NUM_USERS)
    dst = jax.random.randint(ks[4], (NUM_EDGES,), 0, NUM_ITEMS) + NUM_USERS
    edge_index = jnp.stack([src, dst], axis=0)
    edge_features = jax.random.normal(ks[5], (NUM_EDGES, EDGE_FEAT_DIM), dtype=jnp.float32)
    item_audio_emb = jax.random.normal(ks[6], (NUM_ITEMS, AUDIO_DIM), dtype=jnp.float32)
    artist_ids = jax.random.randint(ks[7], (NUM_ITEMS,), 0, NUM_ARTISTS)
    album_ids = jax.random.randint(ks[8], (NUM_ITEMS,), 0, NUM_ALBUMS)
    user_emb_w = jax.random.normal(ks[9], (NUM_USERS, EMBED_DIM), dtype=jnp.float32) * 0.02
    artist_emb_w = jax.random.normal(ks[10], (NUM_ARTISTS, EMBED_DIM), dtype=jnp.float32) * 0.02
    album_emb_w = jax.random.normal(ks[11], (NUM_ALBUMS, EMBED_DIM), dtype=jnp.float32) * 0.02
    adapter_w = jax.random.normal(ks[12], (AUDIO_DIM, EMBED_DIM), dtype=jnp.float32) * (1.0 / np.sqrt(AUDIO_DIM))
    adapter_b = jnp.zeros((EMBED_DIM,), dtype=jnp.float32)
    mlp_w1 = jax.random.normal(ks[13], (EDGE_FEAT_DIM, HIDDEN_DIM), dtype=jnp.float32) * 0.4
    mlp_b1 = jnp.zeros((HIDDEN_DIM,), dtype=jnp.float32)
    mlp_w2 = jax.random.normal(ks[14], (HIDDEN_DIM, 1), dtype=jnp.float32) * 0.3
    mlp_b2 = jnp.zeros((1,), dtype=jnp.float32)
    return {"user_idx": user_idx, "item_id": item_id, "pos_item_id": pos_item_id, "return_projections": 1, "user_emb_w": user_emb_w, "artist_emb_w": artist_emb_w, "album_emb_w": album_emb_w, "adapter_w": adapter_w, "adapter_b": adapter_b, "mlp_w1": mlp_w1, "mlp_b1": mlp_b1, "mlp_w2": mlp_w2, "mlp_b2": mlp_b2, "item_audio_emb": item_audio_emb, "artist_ids": artist_ids, "album_ids": album_ids, "edge_index": edge_index, "edge_features": edge_features}


def _normalize(x, eps):
    # F.normalize(x, p=2): x / max(||x||, eps), written nan-safely
    sq = jnp.sum(x * x, axis=-1, keepdims=True)
    nrm = jnp.sqrt(jnp.maximum(sq, eps * eps))
    return x / nrm


def _lgconv(x, src, dst, ew, num_nodes):
    # PyG LGConv: gcn_norm(add_self_loops=False) then weighted mean-field propagate
    deg = jax.ops.segment_sum(ew, dst, num_segments=num_nodes)
    safe_deg = jnp.where(deg > 0, deg, 1.0)
    dis = jnp.where(deg > 0, safe_deg ** -0.5, 0.0)
    norm = dis[src] * ew * dis[dst]
    msg = norm[:, None] * x[src]
    return jax.ops.segment_sum(msg, dst, num_segments=num_nodes)


def reference(user_idx, item_id, pos_item_id, return_projections, user_emb_w, artist_emb_w, album_emb_w, adapter_w, adapter_b, mlp_w1, mlp_b1, mlp_w2, mlp_b2, item_audio_emb, artist_ids, album_ids, edge_index, edge_features):
    num_nodes = NUM_USERS + NUM_ITEMS
    # EdgeWeightMLP
    h = jax.nn.relu(edge_features @ mlp_w1 + mlp_b1)
    edge_weight = jnp.squeeze(jax.nn.sigmoid(h @ mlp_w2 + mlp_b2), axis=-1)
    # batch-induced edge masking
    user_mask = jnp.any(edge_index[0][:, None] == user_idx[None, :], axis=1)
    item_mask = jnp.any(edge_index[1][:, None] == (item_id + NUM_USERS)[None, :], axis=1)
    mask = user_mask & item_mask
    src = edge_index[0]
    dst = edge_index[1]
    ew = jnp.where(mask, edge_weight, 0.0)
    # item embeddings
    item_embed = item_audio_emb + artist_emb_w[artist_ids] + album_emb_w[album_ids]
    item_embed = _normalize(item_embed @ adapter_w + adapter_b, 1e-12)
    x = jnp.concatenate([user_emb_w, item_embed], axis=0)
    for _ in range(NUM_LAYERS):
        x = _lgconv(x, src, dst, ew, num_nodes)
    x = _normalize(x, 1e-12)
    u_emb = x[user_idx]
    i_emb = x[NUM_USERS + item_id]
    pos_emb = x[NUM_USERS + pos_item_id]
    nu = jnp.sqrt(jnp.maximum(jnp.sum(u_emb * u_emb, axis=-1), 1e-16))
    npos = jnp.sqrt(jnp.maximum(jnp.sum(pos_emb * pos_emb, axis=-1), 1e-16))
    cos = jnp.sum(u_emb * pos_emb, axis=-1) / (nu * npos)
    align_loss = jnp.where(return_projections != 0, jnp.mean(1.0 - cos), jnp.zeros((), jnp.float32)).astype(jnp.float32)
    return (u_emb, i_emb, align_loss)

if __name__ == "__main__":
    import jax
    _d = setup_inputs()
    print(jax.jit(kernel)(*tuple(_d.values())))

</pallas_src>

<mosaic_0001>
#map = affine_map<(d0, d1) -> (0)>
#map1 = affine_map<(d0, d1) -> (0, 0)>
module attributes {stable_mosaic.version = 14 : i64} {
  func.func @_sc_body(%arg0: i32, %arg1: i32, %arg2: memref<800256xi32, #tpu.memory_space<hbm>>, %arg3: memref<800256xi32, #tpu.memory_space<hbm>>, %arg4: memref<800256xf32, #tpu.memory_space<hbm>>, %arg5: memref<128xi32, #tpu.memory_space<hbm>>, %arg6: memref<128xi32, #tpu.memory_space<hbm>>, %arg7: memref<128xi32, #tpu.memory_space<hbm>>, %arg8: memref<128xi32, #tpu.memory_space<hbm>>, %arg9: memref<25000x64xf32, #tpu.memory_space<hbm>>, %arg10: memref<25000x64xf32, #tpu.memory_space<hbm>>, %arg11: memref<25000xi32, #tpu.memory_space<hbm>>, %arg12: memref<25000xi32, #tpu.memory_space<hbm>>, %arg13: memref<5000x64xf32, #tpu.memory_space<hbm>>, %arg14: memref<10000x64xf32, #tpu.memory_space<hbm>>, %arg15: memref<32x16384xf32, #tpu.memory_space<hbm>>, %arg16: memref<128x64xf32, #tpu.memory_space<hbm>>, %arg17: memref<128x64xf32, #tpu.memory_space<hbm>>, %arg18: memref<128x64xf32, #tpu.memory_space<hbm>>, %arg19: memref<128x64xf32, #tpu.memory_space<hbm>>, %arg20: memref<25008xi32, #tpu.memory_space<vmem>>, %arg21: memref<25008xi32, #tpu.memory_space<vmem>>, %arg22: memref<8336xi32, #tpu.memory_space<vmem>>, %arg23: memref<8336xi32, #tpu.memory_space<vmem>>, %arg24: memref<8336xf32, #tpu.memory_space<vmem>>, %arg25: memref<16384xf32, #tpu.memory_space<vmem>>, %arg26: memref<128xi32, #tpu.memory_space<vmem>>, %arg27: memref<128xi32, #tpu.memory_space<vmem>>, %arg28: memref<128xi32, #tpu.memory_space<vmem>>, %arg29: memref<128xi32, #tpu.memory_space<vmem>>, %arg30: memref<128xi32, #tpu.memory_space<vmem>>, %arg31: memref<128x64xf32, #tpu.memory_space<vmem>>, %arg32: memref<!tpu.dma_semaphore, #tpu.memory_space<semaphore_mem>>) attributes {dimension_semantics = [#tpu.dimension_semantics<core_parallel>, #tpu.dimension_semantics<subcore_parallel>], iteration_bounds = array<i64: 2, 16>, scalar_prefetch = 0 : i64, scratch_operands = 13 : i64, tpu.core_type = #tpu.core_type<sc_vector_subcore>, window_params = [{transform_indices = #map}, {transform_indices = #map}, {transform_indices = #map}, {transform_indices = #map}, {transform_indices = #map}, {transform_indices = #map}, {transform_indices = #map}, {transform_indices = #map1}, {transform_indices = #map1}, {transform_indices = #map}, {transform_indices = #map}, {transform_indices = #map1}, {transform_indices = #map1}, {transform_indices = #map1}, {transform_indices = #map1}, {transform_indices = #map1}, {transform_indices = #map1}, {transform_indices = #map1}]} {
    %mul3A = arith.constant 16 : i32
    %mul3A_0 = arith.muli %arg0, %mul3A : i32
    %add3A = arith.addi %mul3A_0, %arg1 : i32
    %iota3A = tpu.iota {dimensions = array<i32: 0>} : vector<16xi32>
    %broadcast_in_dim3A = arith.constant -1 : i32
    %broadcast_in_dim3A_1 = vector.broadcast %broadcast_in_dim3A : i32 to vector<16xi32>
    %scan3A = arith.constant 0 : i32
    %scan3A_2 = arith.constant 0 : i32
    %scan3A_3 = arith.constant 1563 : i32
    %scan3A_4 = arith.addi %scan3A_2, %scan3A_3 : i32
    %scan3A_5 = arith.constant 1 : i32
    %scan3A_6 = scf.for %scan3A_475 = %scan3A_2 to %scan3A_4 step %scan3A_5 iter_args(%scan3A_476 = %scan3A) -> (i32)  : i32 {
      %mul3A_477 = arith.constant 16 : i32
      %mul3A_478 = arith.muli %scan3A_475, %mul3A_477 : i32
      %swap3A = arith.index_cast %mul3A_478 : i32 to index
      %swap3A_479 = tpu.vector_load %arg20[%swap3A] {strides = array<i32>} : memref<25008xi32, #tpu.memory_space<vmem>>, vector<16xi32>,
      tpu.vector_store %arg20[%swap3A], %broadcast_in_dim3A_1 {strides = array<i32>} : memref<25008xi32, #tpu.memory_space<vmem>>, vector<16xi32>,
      %mul3A_480 = arith.constant 16 : i32
      %mul3A_481 = arith.muli %scan3A_475, %mul3A_480 : i32
      %swap3A_482 = arith.index_cast %mul3A_481 : i32 to index
      %swap3A_483 = tpu.vector_load %arg21[%swap3A_482] {strides = array<i32>} : memref<25008xi32, #tpu.memory_space<vmem>>, vector<16xi32>,
      tpu.vector_store %arg21[%swap3A_482], %broadcast_in_dim3A_1 {strides = array<i32>} : memref<25008xi32, #tpu.memory_space<vmem>>, vector<16xi32>,
      %scan3A_484 = arith.constant 0 : i32
      scf.yield %scan3A_484 : i32
    }
    %scan3A_7 = arith.constant 1563 : i32
    "tpu.region"() ({
      %run_scoped3A = tpu.sem_alloc : memref<!tpu.dma_semaphore, #tpu.memory_space<semaphore_mem>>
      tpu.enqueue_dma source(%arg5 : memref<128xi32, #tpu.memory_space<hbm>>) target(%arg26 : memref<128xi32, #tpu.memory_space<vmem>>) target_semaphore(%run_scoped3A : memref<!tpu.dma_semaphore, #tpu.memory_space<semaphore_mem>>)
      tpu.wait_dma2 semaphore(%run_scoped3A : memref<!tpu.dma_semaphore, #tpu.memory_space<semaphore_mem>>) src(%arg5 : memref<128xi32, #tpu.memory_space<hbm>>) dst(%arg26 : memref<128xi32, #tpu.memory_space<vmem>>)
      tpu.yield
    }) : () -> ()
    "tpu.region"() ({
      %run_scoped3A = tpu.sem_alloc : memref<!tpu.dma_semaphore, #tpu.memory_space<semaphore_mem>>
      tpu.enqueue_dma source(%arg6 : memref<128xi32, #tpu.memory_space<hbm>>) target(%arg27 : memref<128xi32, #tpu.memory_space<vmem>>) target_semaphore(%run_scoped3A : memref<!tpu.dma_semaphore, #tpu.memory_space<semaphore_mem>>)
      tpu.wait_dma2 semaphore(%run_scoped3A : memref<!tpu.dma_semaphore, #tpu.memory_space<semaphore_mem>>) src(%arg6 : memref<128xi32, #tpu.memory_space<hbm>>) dst(%arg27 : memref<128xi32, #tpu.memory_space<vmem>>)
      tpu.yield
    }) : () -> ()
    "tpu.region"() ({
      %run_scoped3A = tpu.sem_alloc : memref<!tpu.dma_semaphore, #tpu.memory_space<semaphore_mem>>
      tpu.enqueue_dma source(%arg7 : memref<128xi32, #tpu.memory_space<hbm>>) target(%arg28 : memref<128xi32, #tpu.memory_space<vmem>>) target_semaphore(%run_scoped3A : memref<!tpu.dma_semaphore, #tpu.memory_space<semaphore_mem>>)
      tpu.wait_dma2 semaphore(%run_scoped3A : memref<!tpu.dma_semaphore, #tpu.memory_space<semaphore_mem>>) src(%arg7 : memref<128xi32, #tpu.memory_space<hbm>>) dst(%arg28 : memref<128xi32, #tpu.memory_space<vmem>>)
      tpu.yield
    }) : () -> ()
    "tpu.region"() ({
      %run_scoped3A = tpu.sem_alloc : memref<!tpu.dma_semaphore, #tpu.memory_space<semaphore_mem>>
      tpu.enqueue_dma source(%arg8 : memref<128xi32, #tpu.memory_space<hbm>>) target(%arg29 : memref<128xi32, #tpu.memory_space<vmem>>) target_semaphore(%run_scoped3A : memref<!tpu.dma_semaphore, #tpu.memory_space<semaphore_mem>>)
      tpu.wait_dma2 semaphore(%run_scoped3A : memref<!tpu.dma_semaphore, #tpu.memory_space<semaphore_mem>>) src(%arg8 : memref<128xi32, #tpu.memory_space<hbm>>) dst(%arg29 : memref<128xi32, #tpu.memory_space<vmem>>)
      tpu.yield
    }) : () -> ()
    %get3A = arith.constant 0 : index
    %get3A_8 = tpu.vector_load %arg26[%get3A] {strides = array<i32>} : memref<128xi32, #tpu.memory_space<vmem>>, vector<16xi32>,
    %get3A_9 = arith.constant 0 : index
    %get3A_10 = tpu.vector_load %arg27[%get3A_9] {strides = array<i32>} : memref<128xi32, #tpu.memory_space<vmem>>, vector<16xi32>,
    %get3A_11 = arith.constant 0 : index
    %get3A_12 = tpu.vector_load %arg28[%get3A_11] {strides = array<i32>} : memref<128xi32, #tpu.memory_space<vmem>>, vector<16xi32>,
    %get3A_13 = arith.constant 0 : index
    %get3A_14 = tpu.vector_load %arg29[%get3A_13] {strides = array<i32>} : memref<128xi32, #tpu.memory_space<vmem>>, vector<16xi32>,
    %eq3A = arith.constant 0 : i32
    %eq3A_15 = vector.broadcast %eq3A : i32 to vector<16xi32>
    %eq3A_16 = arith.cmpi eq, %iota3A, %eq3A_15 : vector<16xi32>
    tpu.vector_store_idx %arg20[%get3A_8], %get3A_12 masked %eq3A_16 : memref<25008xi32, #tpu.memory_space<vmem>>[vector<16xi32>], vector<16xi32>, vector<16xi1>
    tpu.vector_store_idx %arg21[%get3A_10], %get3A_14 masked %eq3A_16 : memref<25008xi32, #tpu.memory_space<vmem>>[vector<16xi32>], vector<16xi32>, vector<16xi1>
    %eq3A_17 = arith.constant 1 : i32
    %eq3A_18 = vector.broadcast %eq3A_17 : i32 to vector<16xi32>
    %eq3A_19 = arith.cmpi eq, %iota3A, %eq3A_18 : vector<16xi32>
    tpu.vector_store_idx %arg20[%get3A_8], %get3A_12 masked %eq3A_19 : memref<25008xi32, #tpu.memory_space<vmem>>[vector<16xi32>], vector<16xi32>, vector<16xi1>
    tpu.vector_store_idx %arg21[%get3A_10], %get3A_14 masked %eq3A_19 : memref<25008xi32, #tpu.memory_space<vmem>>[vector<16xi32>], vector<16xi32>, vector<16xi1>
    %eq3A_20 = arith.constant 2 : i32
    %eq3A_21 = vector.broadcast %eq3A_20 : i32 to vector<16xi32>
    %eq3A_22 = arith.cmpi eq, %iota3A, %eq3A_21 : vector<16xi32>
    tpu.vector_store_idx %arg20[%get3A_8], %get3A_12 masked %eq3A_22 : memref<25008xi32, #tpu.memory_space<vmem>>[vector<16xi32>], vector<16xi32>, vector<16xi1>
    tpu.vector_store_idx %arg21[%get3A_10], %get3A_14 masked %eq3A_22 : memref<25008xi32, #tpu.memory_space<vmem>>[vector<16xi32>], vector<16xi32>, vector<16xi1>
    %eq3A_23 = arith.constant 3 : i32
    %eq3A_24 = vector.broadcast %eq3A_23 : i32 to vector<16xi32>
    %eq3A_25 = arith.cmpi eq, %iota3A, %eq3A_24 : vector<16xi32>
    tpu.vector_store_idx %arg20[%get3A_8], %get3A_12 masked %eq3A_25 : memref<25008xi32, #tpu.memory_space<vmem>>[vector<16xi32>], vector<16xi32>, vector<16xi1>
    tpu.vector_store_idx %arg21[%get3A_10], %get3A_14 masked %eq3A_25 : memref<25008xi32, #tpu.memory_space<vmem>>[vector<16xi32>], vector<16xi32>, vector<16xi1>
    %eq3A_26 = arith.constant 4 : i32
    %eq3A_27 = vector.broadcast %eq3A_26 : i32 to vector<16xi32>
    %eq3A_28 = arith.cmpi eq, %iota3A, %eq3A_27 : vector<16xi32>
    tpu.vector_store_idx %arg20[%get3A_8], %get3A_12 masked %eq3A_28 : memref<25008xi32, #tpu.memory_space<vmem>>[vector<16xi32>], vector<16xi32>, vector<16xi1>
    tpu.vector_store_idx %arg21[%get3A_10], %get3A_14 masked %eq3A_28 : memref<25008xi32, #tpu.memory_space<vmem>>[vector<16xi32>], vector<16xi32>, vector<16xi1>
    %eq3A_29 = arith.constant 5 : i32
    %eq3A_30 = vector.broadcast %eq3A_29 : i32 to vector<16xi32>
    %eq3A_31 = arith.cmpi eq, %iota3A, %eq3A_30 : vector<16xi32>
    tpu.vector_store_idx %arg20[%get3A_8], %get3A_12 masked %eq3A_31 : memref<25008xi32, #tpu.memory_space<vmem>>[vector<16xi32>], vector<16xi32>, vector<16xi1>
    tpu.vector_store_idx %arg21[%get3A_10], %get3A_14 masked %eq3A_31 : memref<25008xi32, #tpu.memory_space<vmem>>[vector<16xi32>], vector<16xi32>, vector<16xi1>
    %eq3A_32 = arith.constant 6 : i32
    %eq3A_33 = vector.broadcast %eq3A_32 : i32 to vector<16xi32>
    %eq3A_34 = arith.cmpi eq, %iota3A, %eq3A_33 : vector<16xi32>
    tpu.vector_store_idx %arg20[%get3A_8], %get3A_12 masked %eq3A_34 : memref<25008xi32, #tpu.memory_space<vmem>>[vector<16xi32>], vector<16xi32>, vector<16xi1>
    tpu.vector_store_idx %arg21[%get3A_10], %get3A_14 masked %eq3A_34 : memref<25008xi32, #tpu.memory_space<vmem>>[vector<16xi32>], vector<16xi32>, vector<16xi1>
    %eq3A_35 = arith.constant 7 : i32
    %eq3A_36 = vector.broadcast %eq3A_35 : i32 to vector<16xi32>
    %eq3A_37 = arith.cmpi eq, %iota3A, %eq3A_36 : vector<16xi32>
    tpu.vector_store_idx %arg20[%get3A_8], %get3A_12 masked %eq3A_37 : memref<25008xi32, #tpu.memory_space<vmem>>[vector<16xi32>], vector<16xi32>, vector<16xi1>
    tpu.vector_store_idx %arg21[%get3A_10], %get3A_14 masked %eq3A_37 : memref<25008xi32, #tpu.memory_space<vmem>>[vector<16xi32>], vector<16xi32>, vector<16xi1>
    %eq3A_38 = arith.constant 8 : i32
    %eq3A_39 = vector.broadcast %eq3A_38 : i32 to vector<16xi32>
    %eq3A_40 = arith.cmpi eq, %iota3A, %eq3A_39 : vector<16xi32>
    tpu.vector_store_idx %arg20[%get3A_8], %get3A_12 masked %eq3A_40 : memref<25008xi32, #tpu.memory_space<vmem>>[vector<16xi32>], vector<16xi32>, vector<16xi1>
    tpu.vector_store_idx %arg21[%get3A_10], %get3A_14 masked %eq3A_40 : memref<25008xi32, #tpu.memory_space<vmem>>[vector<16xi32>], vector<16xi32>, vector<16xi1>
    %eq3A_41 = arith.constant 9 : i32
    %eq3A_42 = vector.broadcast %eq3A_41 : i32 to vector<16xi32>
    %eq3A_43 = arith.cmpi eq, %iota3A, %eq3A_42 : vector<16xi32>
    tpu.vector_store_idx %arg20[%get3A_8], %get3A_12 masked %eq3A_43 : memref<25008xi32, #tpu.memory_space<vmem>>[vector<16xi32>], vector<16xi32>, vector<16xi1>
    tpu.vector_store_idx %arg21[%get3A_10], %get3A_14 masked %eq3A_43 : memref<25008xi32, #tpu.memory_space<vmem>>[vector<16xi32>], vector<16xi32>, vector<16xi1>
    %eq3A_44 = arith.constant 10 : i32
    %eq3A_45 = vector.broadcast %eq3A_44 : i32 to vector<16xi32>
    %eq3A_46 = arith.cmpi eq, %iota3A, %eq3A_45 : vector<16xi32>
    tpu.vector_store_idx %arg20[%get3A_8], %get3A_12 masked %eq3A_46 : memref<25008xi32, #tpu.memory_space<vmem>>[vector<16xi32>], vector<16xi32>, vector<16xi1>
    tpu.vector_store_idx %arg21[%get3A_10], %get3A_14 masked %eq3A_46 : memref<25008xi32, #tpu.memory_space<vmem>>[vector<16xi32>], vector<16xi32>, vector<16xi1>
    %eq3A_47 = arith.constant 11 : i32
    %eq3A_48 = vector.broadcast %eq3A_47 : i32 to vector<16xi32>
    %eq3A_49 = arith.cmpi eq, %iota3A, %eq3A_48 : vector<16xi32>
    tpu.vector_store_idx %arg20[%get3A_8], %get3A_12 masked %eq3A_49 : memref<25008xi32, #tpu.memory_space<vmem>>[vector<16xi32>], vector<16xi32>, vector<16xi1>
    tpu.vector_store_idx %arg21[%get3A_10], %get3A_14 masked %eq3A_49 : memref<25008xi32, #tpu.memory_space<vmem>>[vector<16xi32>], vector<16xi32>, vector<16xi1>
    %eq3A_50 = arith.constant 12 : i32
    %eq3A_51 = vector.broadcast %eq3A_50 : i32 to vector<16xi32>
    %eq3A_52 = arith.cmpi eq, %iota3A, %eq3A_51 : vector<16xi32>
    tpu.vector_store_idx %arg20[%get3A_8], %get3A_12 masked %eq3A_52 : memref<25008xi32, #tpu.memory_space<vmem>>[vector<16xi32>], vector<16xi32>, vector<16xi1>
    tpu.vector_store_idx %arg21[%get3A_10], %get3A_14 masked %eq3A_52 : memref<25008xi32, #tpu.memory_space<vmem>>[vector<16xi32>], vector<16xi32>, vector<16xi1>
    %eq3A_53 = arith.constant 13 : i32
    %eq3A_54 = vector.broadcast %eq3A_53 : i32 to vector<16xi32>
    %eq3A_55 = arith.cmpi eq, %iota3A, %eq3A_54 : vector<16xi32>
    tpu.vector_store_idx %arg20[%get3A_8], %get3A_12 masked %eq3A_55 : memref<25008xi32, #tpu.memory_space<vmem>>[vector<16xi32>], vector<16xi32>, vector<16xi1>
    tpu.vector_store_idx %arg21[%get3A_10], %get3A_14 masked %eq3A_55 : memref<25008xi32, #tpu.memory_space<vmem>>[vector<16xi32>], vector<16xi32>, vector<16xi1>
    %eq3A_56 = arith.constant 14 : i32
    %eq3A_57 = vector.broadcast %eq3A_56 : i32 to vector<16xi32>
    %eq3A_58 = arith.cmpi eq, %iota3A, %eq3A_57 : vector<16xi32>
    tpu.vector_store_idx %arg20[%get3A_8], %get3A_12 masked %eq3A_58 : memref<25008xi32, #tpu.memory_space<vmem>>[vector<16xi32>], vector<16xi32>, vector<16xi1>
    tpu.vector_store_idx %arg21[%get3A_10], %get3A_14 masked %eq3A_58 : memref<25008xi32, #tpu.memory_space<vmem>>[vector<16xi32>], vector<16xi32>, vector<16xi1>
    %eq3A_59 = arith.constant 15 : i32
    %eq3A_60 = vector.broadcast %eq3A_59 : i32 to vector<16xi32>
    %eq3A_61 = arith.cmpi eq, %iota3A, %eq3A_60 : vector<16xi32>
    tpu.vector_store_idx %arg20[%get3A_8], %get3A_12 masked %eq3A_61 : memref<25008xi32, #tpu.memory_space<vmem>>[vector<16xi32>], vector<16xi32>, vector<16xi1>
    tpu.vector_store_idx %arg21[%get3A_10], %get3A_14 masked %eq3A_61 : memref<25008xi32, #tpu.memory_space<vmem>>[vector<16xi32>], vector<16xi32>, vector<16xi1>
    %get3A_62 = arith.constant 16 : index
    %get3A_63 = tpu.vector_load %arg26[%get3A_62] {strides = array<i32>} : memref<128xi32, #tpu.memory_space<vmem>>, vector<16xi32>,
    %get3A_64 = arith.constant 16 : index
    %get3A_65 = tpu.vector_load %arg27[%get3A_64] {strides = array<i32>} : memref<128xi32, #tpu.memory_space<vmem>>, vector<16xi32>,
    %get3A_66 = arith.constant 16 : index
    %get3A_67 = tpu.vector_load %arg28[%get3A_66] {strides = array<i32>} : memref<128xi32, #tpu.memory_space<vmem>>, vector<16xi32>,
    %get3A_68 = arith.constant 16 : index
    %get3A_69 = tpu.vector_load %arg29[%get3A_68] {strides = array<i32>} : memref<128xi32, #tpu.memory_space<vmem>>, vector<16xi32>,
    %eq3A_70 = arith.constant 0 : i32
    %eq3A_71 = vector.broadcast %eq3A_70 : i32 to vector<16xi32>
    %eq3A_72 = arith.cmpi eq, %iota3A, %eq3A_71 : vector<16xi32>
    tpu.vector_store_idx %arg20[%get3A_63], %get3A_67 masked %eq3A_72 : memref<25008xi32, #tpu.memory_space<vmem>>[vector<16xi32>], vector<16xi32>, vector<16xi1>
    tpu.vector_store_idx %arg21[%get3A_65], %get3A_69 masked %eq3A_72 : memref<25008xi32, #tpu.memory_space<vmem>>[vector<16xi32>], vector<16xi32>, vector<16xi1>
    %eq3A_73 = arith.constant 1 : i32
    %eq3A_74 = vector.broadcast %eq3A_73 : i32 to vector<16xi32>
    %eq3A_75 = arith.cmpi eq, %iota3A, %eq3A_74 : vector<16xi32>
    tpu.vector_store_idx %arg20[%get3A_63], %get3A_67 masked %eq3A_75 : memref<25008xi32, #tpu.memory_space<vmem>>[vector<16xi32>], vector<16xi32>, vector<16xi1>
    tpu.vector_store_idx %arg21[%get3A_65], %get3A_69 masked %eq3A_75 : memref<25008xi32, #tpu.memory_space<vmem>>[vector<16xi32>], vector<16xi32>, vector<16xi1>
    %eq3A_76 = arith.constant 2 : i32
    %eq3A_77 = vector.broadcast %eq3A_76 : i32 to vector<16xi32>
    %eq3A_78 = arith.cmpi eq, %iota3A, %eq3A_77 : vector<16xi32>
    tpu.vector_store_idx %arg20[%get3A_63], %get3A_67 masked %eq3A_78 : memref<25008xi32, #tpu.memory_space<vmem>>[vector<16xi32>], vector<16xi32>, vector<16xi1>
    tpu.vector_store_idx %arg21[%get3A_65], %get3A_69 masked %eq3A_78 : memref<25008xi32, #tpu.memory_space<vmem>>[vector<16xi32>], vector<16xi32>, vector<16xi1>
    %eq3A_79 = arith.constant 3 : i32
    %eq3A_80 = vector.broadcast %eq3A_79 : i32 to vector<16xi32>
    %eq3A_81 = arith.cmpi eq, %iota3A, %eq3A_80 : vector<16xi32>
    tpu.vector_store_idx %arg20[%get3A_63], %get3A_67 masked %eq3A_81 : memref<25008xi32, #tpu.memory_space<vmem>>[vector<16xi32>], vector<16xi32>, vector<16xi1>
    tpu.vector_store_idx %arg21[%get3A_65], %get3A_69 masked %eq3A_81 : memref<25008xi32, #tpu.memory_space<vmem>>[vector<16xi32>], vector<16xi32>, vector<16xi1>
    %eq3A_82 = arith.constant 4 : i32
    %eq3A_83 = vector.broadcast %eq3A_82 : i32 to vector<16xi32>
    %eq3A_84 = arith.cmpi eq, %iota3A, %eq3A_83 : vector<16xi32>
    tpu.vector_store_idx %arg20[%get3A_63], %get3A_67 masked %eq3A_84 : memref<25008xi32, #tpu.memory_space<vmem>>[vector<16xi32>], vector<16xi32>, vector<16xi1>
    tpu.vector_store_idx %arg21[%get3A_65], %get3A_69 masked %eq3A_84 : memref<25008xi32, #tpu.memory_space<vmem>>[vector<16xi32>], vector<16xi32>, vector<16xi1>
    %eq3A_85 = arith.constant 5 : i32
    %eq3A_86 = vector.broadcast %eq3A_85 : i32 to vector<16xi32>
    %eq3A_87 = arith.cmpi eq, %iota3A, %eq3A_86 : vector<16xi32>
    tpu.vector_store_idx %arg20[%get3A_63], %get3A_67 masked %eq3A_87 : memref<25008xi32, #tpu.memory_space<vmem>>[vector<16xi32>], vector<16xi32>, vector<16xi1>
    tpu.vector_store_idx %arg21[%get3A_65], %get3A_69 masked %eq3A_87 : memref<25008xi32, #tpu.memory_space<vmem>>[vector<16xi32>], vector<16xi32>, vector<16xi1>
    %eq3A_88 = arith.constant 6 : i32
    %eq3A_89 = vector.broadcast %eq3A_88 : i32 to vector<16xi32>
    %eq3A_90 = arith.cmpi eq, %iota3A, %eq3A_89 : vector<16xi32>
    tpu.vector_store_idx %arg20[%get3A_63], %get3A_67 masked %eq3A_90 : memref<25008xi32, #tpu.memory_space<vmem>>[vector<16xi32>], vector<16xi32>, vector<16xi1>
    tpu.vector_store_idx %arg21[%get3A_65], %get3A_69 masked %eq3A_90 : memref<25008xi32, #tpu.memory_space<vmem>>[vector<16xi32>], vector<16xi32>, vector<16xi1>
    %eq3A_91 = arith.constant 7 : i32
    %eq3A_92 = vector.broadcast %eq3A_91 : i32 to vector<16xi32>
    %eq3A_93 = arith.cmpi eq, %iota3A, %eq3A_92 : vector<16xi32>
    tpu.vector_store_idx %arg20[%get3A_63], %get3A_67 masked %eq3A_93 : memref<25008xi32, #tpu.memory_space<vmem>>[vector<16xi32>], vector<16xi32>, vector<16xi1>
    tpu.vector_store_idx %arg21[%get3A_65], %get3A_69 masked %eq3A_93 : memref<25008xi32, #tpu.memory_space<vmem>>[vector<16xi32>], vector<16xi32>, vector<16xi1>
    %eq3A_94 = arith.constant 8 : i32
    %eq3A_95 = vector.broadcast %eq3A_94 : i32 to vector<16xi32>
    %eq3A_96 = arith.cmpi eq, %iota3A, %eq3A_95 : vector<16xi32>
    tpu.vector_store_idx %arg20[%get3A_63], %get3A_67 masked %eq3A_96 : memref<25008xi32, #tpu.memory_space<vmem>>[vector<16xi32>], vector<16xi32>, vector<16xi1>
    tpu.vector_store_idx %arg21[%get3A_65], %get3A_69 masked %eq3A_96 : memref<25008xi32, #tpu.memory_space<vmem>>[vector<16xi32>], vector<16xi32>, vector<16xi1>
    %eq3A_97 = arith.constant 9 : i32
    %eq3A_98 = vector.broadcast %eq3A_97 : i32 to vector<16xi32>
    %eq3A_99 = arith.cmpi eq, %iota3A, %eq3A_98 : vector<16xi32>
    tpu.vector_store_idx %arg20[%get3A_63], %get3A_67 masked %eq3A_99 : memref<25008xi32, #tpu.memory_space<vmem>>[vector<16xi32>], vector<16xi32>, vector<16xi1>
    tpu.vector_store_idx %arg21[%get3A_65], %get3A_69 masked %eq3A_99 : memref<25008xi32, #tpu.memory_space<vmem>>[vector<16xi32>], vector<16xi32>, vector<16xi1>
    %eq3A_100 = arith.constant 10 : i32
    %eq3A_101 = vector.broadcast %eq3A_100 : i32 to vector<16xi32>
    %eq3A_102 = arith.cmpi eq, %iota3A, %eq3A_101 : vector<16xi32>
    tpu.vector_store_idx %arg20[%get3A_63], %get3A_67 masked %eq3A_102 : memref<25008xi32, #tpu.memory_space<vmem>>[vector<16xi32>], vector<16xi32>, vector<16xi1>
    tpu.vector_store_idx %arg21[%get3A_65], %get3A_69 masked %eq3A_102 : memref<25008xi32, #tpu.memory_space<vmem>>[vector<16xi32>], vector<16xi32>, vector<16xi1>
    %eq3A_103 = arith.constant 11 : i32
    %eq3A_104 = vector.broadcast %eq3A_103 : i32 to vector<16xi32>
    %eq3A_105 = arith.cmpi eq, %iota3A, %eq3A_104 : vector<16xi32>
    tpu.vector_store_idx %arg20[%get3A_63], %get3A_67 masked %eq3A_105 : memref<25008xi32, #tpu.memory_space<vmem>>[vector<16xi32>], vector<16xi32>, vector<16xi1>
    tpu.vector_store_idx %arg21[%get3A_65], %get3A_69 masked %eq3A_105 : memref<25008xi32, #tpu.memory_space<vmem>>[vector<16xi32>], vector<16xi32>, vector<16xi1>
    %eq3A_106 = arith.constant 12 : i32
    %eq3A_107 = vector.broadcast %eq3A_106 : i32 to vector<16xi32>
    %eq3A_108 = arith.cmpi eq, %iota3A, %eq3A_107 : vector<16xi32>
    tpu.vector_store_idx %arg20[%get3A_63], %get3A_67 masked %eq3A_108 : memref<25008xi32, #tpu.memory_space<vmem>>[vector<16xi32>], vector<16xi32>, vector<16xi1>
    tpu.vector_store_idx %arg21[%get3A_65], %get3A_69 masked %eq3A_108 : memref<25008xi32, #tpu.memory_space<vmem>>[vector<16xi32>], vector<16xi32>, vector<16xi1>
    %eq3A_109 = arith.constant 13 : i32
    %eq3A_110 = vector.broadcast %eq3A_109 : i32 to vector<16xi32>
    %eq3A_111 = arith.cmpi eq, %iota3A, %eq3A_110 : vector<16xi32>
    tpu.vector_store_idx %arg20[%get3A_63], %get3A_67 masked %eq3A_111 : memref<25008xi32, #tpu.memory_space<vmem>>[vector<16xi32>], vector<16xi32>, vector<16xi1>
    tpu.vector_store_idx %arg21[%get3A_65], %get3A_69 masked %eq3A_111 : memref<25008xi32, #tpu.memory_space<vmem>>[vector<16xi32>], vector<16xi32>, vector<16xi1>
    %eq3A_112 = arith.constant 14 : i32
    %eq3A_113 = vector.broadcast %eq3A_112 : i32 to vector<16xi32>
    %eq3A_114 = arith.cmpi eq, %iota3A, %eq3A_113 : vector<16xi32>
    tpu.vector_store_idx %arg20[%get3A_63], %get3A_67 masked %eq3A_114 : memref<25008xi32, #tpu.memory_space<vmem>>[vector<16xi32>], vector<16xi32>, vector<16xi1>
    tpu.vector_store_idx %arg21[%get3A_65], %get3A_69 masked %eq3A_114 : memref<25008xi32, #tpu.memory_space<vmem>>[vector<16xi32>], vector<16xi32>, vector<16xi1>
    %eq3A_115 = arith.constant 15 : i32
    %eq3A_116 = vector.broadcast %eq3A_115 : i32 to vector<16xi32>
    %eq3A_117 = arith.cmpi eq, %iota3A, %eq3A_116 : vector<16xi32>
    tpu.vector_store_idx %arg20[%get3A_63], %get3A_67 masked %eq3A_117 : memref<25008xi32, #tpu.memory_space<vmem>>[vector<16xi32>], vector<16xi32>, vector<16xi1>
    tpu.vector_store_idx %arg21[%get3A_65], %get3A_69 masked %eq3A_117 : memref<25008xi32, #tpu.memory_space<vmem>>[vector<16xi32>], vector<16xi32>, vector<16xi1>
    %get3A_118 = arith.constant 32 : index
    %get3A_119 = tpu.vector_load %arg26[%get3A_118] {strides = array<i32>} : memref<128xi32, #tpu.memory_space<vmem>>, vector<16xi32>,
    %get3A_120 = arith.constant 32 : index
    %get3A_121 = tpu.vector_load %arg27[%get3A_120] {strides = array<i32>} : memref<128xi32, #tpu.memory_space<vmem>>, vector<16xi32>,
    %get3A_122 = arith.constant 32 : index
    %get3A_123 = tpu.vector_load %arg28[%get3A_122] {strides = array<i32>} : memref<128xi32, #tpu.memory_space<vmem>>, vector<16xi32>,
    %get3A_124 = arith.constant 32 : index
    %get3A_125 = tpu.vector_load %arg29[%get3A_124] {strides = array<i32>} : memref<128xi32, #tpu.memory_space<vmem>>, vector<16xi32>,
    %eq3A_126 = arith.constant 0 : i32
    %eq3A_127 = vector.broadcast %eq3A_126 : i32 to vector<16xi32>
    %eq3A_128 = arith.cmpi eq, %iota3A, %eq3A_127 : vector<16xi32>
    tpu.vector_store_idx %arg20[%get3A_119], %get3A_123 masked %eq3A_128 : memref<25008xi32, #tpu.memory_space<vmem>>[vector<16xi32>], vector<16xi32>, vector<16xi1>
    tpu.vector_store_idx %arg21[%get3A_121], %get3A_125 masked %eq3A_128 : memref<25008xi32, #tpu.memory_space<vmem>>[vector<16xi32>], vector<16xi32>, vector<16xi1>
    %eq3A_129 = arith.constant 1 : i32
    %eq3A_130 = vector.broadcast %eq3A_129 : i32 to vector<16xi32>
    %eq3A_131 = arith.cmpi eq, %iota3A, %eq3A_130 : vector<16xi32>
    tpu.vector_store_idx %arg20[%get3A_119], %get3A_123 masked %eq3A_131 : memref<25008xi32, #tpu.memory_space<vmem>>[vector<16xi32>], vector<16xi32>, vector<16xi1>
    tpu.vector_store_idx %arg21[%get3A_121], %get3A_125 masked %eq3A_131 : memref<25008xi32, #tpu.memory_space<vmem>>[vector<16xi32>], vector<16xi32>, vector<16xi1>
    %eq3A_132 = arith.constant 2 : i32
    %eq3A_133 = vector.broadcast %eq3A_132 : i32 to vector<16xi32>
    %eq3A_134 = arith.cmpi eq, %iota3A, %eq3A_133 : vector<16xi32>
    tpu.vector_store_idx %arg20[%get3A_119], %get3A_123 masked %eq3A_134 : memref<25008xi32, #tpu.memory_space<vmem>>[vector<16xi32>], vector<16xi32>, vector<16xi1>
    tpu.vector_store_idx %arg21[%get3A_121], %get3A_125 masked %eq3A_134 : memref<25008xi32, #tpu.memory_space<vmem>>[vector<16xi32>], vector<16xi32>, vector<16xi1>
    %eq3A_135 = arith.constant 3 : i32
    %eq3A_136 = vector.broadcast %eq3A_135 : i32 to vector<16xi32>
    %eq3A_137 = arith.cmpi eq, %iota3A, %eq3A_136 : vector<16xi32>
    tpu.vector_store_idx %arg20[%get3A_119], %get3A_123 masked %eq3A_137 : memref<25008xi32, #tpu.memory_space<vmem>>[vector<16xi32>], vector<16xi32>, vector<16xi1>
    tpu.vector_store_idx %arg21[%get3A_121], %get3A_125 masked %eq3A_137 : memref<25008xi32, #tpu.memory_space<vmem>>[vector<16xi32>], vector<16xi32>, vector<16xi1>
    %eq3A_138 = arith.constant 4 : i32
    %eq3A_139 = vector.broadcast %eq3A_138 : i32 to vector<16xi32>
    %eq3A_140 = arith.cmpi eq, %iota3A, %eq3A_139 : vector<16xi32>
    tpu.vector_store_idx %arg20[%get3A_119], %get3A_123 masked %eq3A_140 : memref<25008xi32, #tpu.memory_space<vmem>>[vector<16xi32>], vector<16xi32>, vector<16xi1>
    tpu.vector_store_idx %arg21[%get3A_121], %get3A_125 masked %eq3A_140 : memref<25008xi32, #tpu.memory_space<vmem>>[vector<16xi32>], vector<16xi32>, vector<16xi1>
    %eq3A_141 = arith.constant 5 : i32
    %eq3A_142 = vector.broadcast %eq3A_141 : i32 to vector<16xi32>
    %eq3A_143 = arith.cmpi eq, %iota3A, %eq3A_142 : vector<16xi32>
    tpu.vector_store_idx %arg20[%get3A_119], %get3A_123 masked %eq3A_143 : memref<25008xi32, #tpu.memory_space<vmem>>[vector<16xi32>], vector<16xi32>, vector<16xi1>
    tpu.vector_store_idx %arg21[%get3A_121], %get3A_125 masked %eq3A_143 : memref<25008xi32, #tpu.memory_space<vmem>>[vector<16xi32>], vector<16xi32>, vector<16xi1>
    %eq3A_144 = arith.constant 6 : i32
    %eq3A_145 = vector.broadcast %eq3A_144 : i32 to vector<16xi32>
    %eq3A_146 = arith.cmpi eq, %iota3A, %eq3A_145 : vector<16xi32>
    tpu.vector_store_idx %arg20[%get3A_119], %get3A_123 masked %eq3A_146 : memref<25008xi32, #tpu.memory_space<vmem>>[vector<16xi32>], vector<16xi32>, vector<16xi1>
    tpu.vector_store_idx %arg21[%get3A_121], %get3A_125 masked %eq3A_146 : memref<25008xi32, #tpu.memory_space<vmem>>[vector<16xi32>], vector<16xi32>, vector<16xi1>
    %eq3A_147 = arith.constant 7 : i32
    %eq3A_148 = vector.broadcast %eq3A_147 : i32 to vector<16xi32>
    %eq3A_149 = arith.cmpi eq, %iota3A, %eq3A_148 : vector<16xi32>
    tpu.vector_store_idx %arg20[%get3A_119], %get3A_123 masked %eq3A_149 : memref<25008xi32, #tpu.memory_space<vmem>>[vector<16xi32>], vector<16xi32>, vector<16xi1>
    tpu.vector_store_idx %arg21[%get3A_121], %get3A_125 masked %eq3A_149 : memref<25008xi32, #tpu.memory_space<vmem>>[vector<16xi32>], vector<16xi32>, vector<16xi1>
    %eq3A_150 = arith.constant 8 : i32
    %eq3A_151 = vector.broadcast %eq3A_150 : i32 to vector<16xi32>
    %eq3A_152 = arith.cmpi eq, %iota3A, %eq3A_151 : vector<16xi32>
    tpu.vector_store_idx %arg20[%get3A_119], %get3A_123 masked %eq3A_152 : memref<25008xi32, #tpu.memory_space<vmem>>[vector<16xi32>], vector<16xi32>, vector<16xi1>
    tpu.vector_store_idx %arg21[%get3A_121], %get3A_125 masked %eq3A_152 : memref<25008xi32, #tpu.memory_space<vmem>>[vector<16xi32>], vector<16xi32>, vector<16xi1>
    %eq3A_153 = arith.constant 9 : i32
    %eq3A_154 = vector.broadcast %eq3A_153 : i32 to vector<16xi32>
    %eq3A_155 = arith.cmpi eq, %iota3A, %eq3A_154 : vector<16xi32>
    tpu.vector_store_idx %arg20[%get3A_119], %get3A_123 masked %eq3A_155 : memref<25008xi32, #tpu.memory_space<vmem>>[vector<16xi32>], vector<16xi32>, vector<16xi1>
    tpu.vector_store_idx %arg21[%get3A_121], %get3A_125 masked %eq3A_155 : memref<25008xi32, #tpu.memory_space<vmem>>[vector<16xi32>], vector<16xi32>, vector<16xi1>
    %eq3A_156 = arith.constant 10 : i32
    %eq3A_157 = vector.broadcast %eq3A_156 : i32 to vector<16xi32>
    %eq3A_158 = arith.cmpi eq, %iota3A, %eq3A_157 : vector<16xi32>
    tpu.vector_store_idx %arg20[%get3A_119], %get3A_123 masked %eq3A_158 : memref<25008xi32, #tpu.memory_space<vmem>>[vector<16xi32>], vector<16xi32>, vector<16xi1>
    tpu.vector_store_idx %arg21[%get3A_121], %get3A_125 masked %eq3A_158 : memref<25008xi32, #tpu.memory_space<vmem>>[vector<16xi32>], vector<16xi32>, vector<16xi1>
    %eq3A_159 = arith.constant 11 : i32
    %eq3A_160 = vector.broadcast %eq3A_159 : i32 to vector<16xi32>
    %eq3A_161 = arith.cmpi eq, %iota3A, %eq3A_160 : vector<16xi32>
    tpu.vector_store_idx %arg20[%get3A_119], %get3A_123 masked %eq3A_161 : memref<25008xi32, #tpu.memory_space<vmem>>[vector<16xi32>], vector<16xi32>, vector<16xi1>
    tpu.vector_store_idx %arg21[%get3A_121], %get3A_125 masked %eq3A_161 : memref<25008xi32, #tpu.memory_space<vmem>>[vector<16xi32>], vector<16xi32>, vector<16xi1>
    %eq3A_162 = arith.constant 12 : i32
    %eq3A_163 = vector.broadcast %eq3A_162 : i32 to vector<16xi32>
    %eq3A_164 = arith.cmpi eq, %iota3A, %eq3A_163 : vector<16xi32>
    tpu.vector_store_idx %arg20[%get3A_119], %get3A_123 masked %eq3A_164 : memref<25008xi32, #tpu.memory_space<vmem>>[vector<16xi32>], vector<16xi32>, vector<16xi1>
    tpu.vector_store_idx %arg21[%get3A_121], %get3A_125 masked %eq3A_164 : memref<25008xi32, #tpu.memory_space<vmem>>[vector<16xi32>], vector<16xi32>, vector<16xi1>
    %eq3A_165 = arith.constant 13 : i32
    %eq3A_166 = vector.broadcast %eq3A_165 : i32 to vector<16xi32>
    %eq3A_167 = arith.cmpi eq, %iota3A, %eq3A_166 : vector<16xi32>
    tpu.vector_store_idx %arg20[%get3A_119], %get3A_123 masked %eq3A_167 : memref<25008xi32, #tpu.memory_space<vmem>>[vector<16xi32>], vector<16xi32>, vector<16xi1>
    tpu.vector_store_idx %arg21[%get3A_121], %get3A_125 masked %eq3A_167 : memref<25008xi32, #tpu.memory_space<vmem>>[vector<16xi32>], vector<16xi32>, vector<16xi1>
    %eq3A_168 = arith.constant 14 : i32
    %eq3A_169 = vector.broadcast %eq3A_168 : i32 to vector<16xi32>
    %eq3A_170 = arith.cmpi eq, %iota3A, %eq3A_169 : vector<16xi32>
    tpu.vector_store_idx %arg20[%get3A_119], %get3A_123 masked %eq3A_170 : memref<25008xi32, #tpu.memory_space<vmem>>[vector<16xi32>], vector<16xi32>, vector<16xi1>
    tpu.vector_store_idx %arg21[%get3A_121], %get3A_125 masked %eq3A_170 : memref<25008xi32, #tpu.memory_space<vmem>>[vector<16xi32>], vector<16xi32>, vector<16xi1>
    %eq3A_171 = arith.constant 15 : i32
    %eq3A_172 = vector.broadcast %eq3A_171 : i32 to vector<16xi32>
    %eq3A_173 = arith.cmpi eq, %iota3A, %eq3A_172 : vector<16xi32>
    tpu.vector_store_idx %arg20[%get3A_119], %get3A_123 masked %eq3A_173 : memref<25008xi32, #tpu.memory_space<vmem>>[vector<16xi32>], vector<16xi32>, vector<16xi1>
    tpu.vector_store_idx %arg21[%get3A_121], %get3A_125 masked %eq3A_173 : memref<25008xi32, #tpu.memory_space<vmem>>[vector<16xi32>], vector<16xi32>, vector<16xi1>
    %get3A_174 = arith.constant 48 : index
    %get3A_175 = tpu.vector_load %arg26[%get3A_174] {strides = array<i32>} : memref<128xi32, #tpu.memory_space<vmem>>, vector<16xi32>,
    %get3A_176 = arith.constant 48 : index
    %get3A_177 = tpu.vector_load %arg27[%get3A_176] {strides = array<i32>} : memref<128xi32, #tpu.memory_space<vmem>>, vector<16xi32>,
    %get3A_178 = arith.constant 48 : index
    %get3A_179 = tpu.vector_load %arg28[%get3A_178] {strides = array<i32>} : memref<128xi32, #tpu.memory_space<vmem>>, vector<16xi32>,
    %get3A_180 = arith.constant 48 : index
    %get3A_181 = tpu.vector_load %arg29[%get3A_180] {strides = array<i32>} : memref<128xi32, #tpu.memory_space<vmem>>, vector<16xi32>,
    %eq3A_182 = arith.constant 0 : i32
    %eq3A_183 = vector.broadcast %eq3A_182 : i32 to vector<16xi32>
    %eq3A_184 = arith.cmpi eq, %iota3A, %eq3A_183 : vector<16xi32>
    tpu.vector_store_idx %arg20[%get3A_175], %get3A_179 masked %eq3A_184 : memref<25008xi32, #tpu.memory_space<vmem>>[vector<16xi32>], vector<16xi32>, vector<16xi1>
    tpu.vector_store_idx %arg21[%get3A_177], %get3A_181 masked %eq3A_184 : memref<25008xi32, #tpu.memory_space<vmem>>[vector<16xi32>], vector<16xi32>, vector<16xi1>
    %eq3A_185 = arith.constant 1 : i32
    %eq3A_186 = vector.broadcast %eq3A_185 : i32 to vector<16xi32>
    %eq3A_187 = arith.cmpi eq, %iota3A, %eq3A_186 : vector<16xi32>
    tpu.vector_store_idx %arg20[%get3A_175], %get3A_179 masked %eq3A_187 : memref<25008xi32, #tpu.memory_space<vmem>>[vector<16xi32>], vector<16xi32>, vector<16xi1>
    tpu.vector_store_idx %arg21[%get3A_177], %get3A_181 masked %eq3A_187 : memref<25008xi32, #tpu.memory_space<vmem>>[vector<16xi32>], vector<16xi32>, vector<16xi1>
    %eq3A_188 = arith.constant 2 : i32
    %eq3A_189 = vector.broadcast %eq3A_188 : i32 to vector<16xi32>
    %eq3A_190 = arith.cmpi eq, %iota3A, %eq3A_189 : vector<16xi32>
    tpu.vector_store_idx %arg20[%get3A_175], %get3A_179 masked %eq3A_190 : memref<25008xi32, #tpu.memory_space<vmem>>[vector<16xi32>], vector<16xi32>, vector<16xi1>
    tpu.vector_store_idx %arg21[%get3A_177], %get3A_181 masked %eq3A_190 : memref<25008xi32, #tpu.memory_space<vmem>>[vector<16xi32>], vector<16xi32>, vector<16xi1>
    %eq3A_191 = arith.constant 3 : i32
    %eq3A_192 = vector.broadcast %eq3A_191 : i32 to vector<16xi32>
    %eq3A_193 = arith.cmpi eq, %iota3A, %eq3A_192 : vector<16xi32>
    tpu.vector_store_idx %arg20[%get3A_175], %get3A_179 masked %eq3A_193 : memref<25008xi32, #tpu.memory_space<vmem>>[vector<16xi32>], vector<16xi32>, vector<16xi1>
    tpu.vector_store_idx %arg21[%get3A_177], %get3A_181 masked %eq3A_193 : memref<25008xi32, #tpu.memory_space<vmem>>[vector<16xi32>], vector<16xi32>, vector<16xi1>
    %eq3A_194 = arith.constant 4 : i32
    %eq3A_195 = vector.broadcast %eq3A_194 : i32 to vector<16xi32>
    %eq3A_196 = arith.cmpi eq, %iota3A, %eq3A_195 : vector<16xi32>
    tpu.vector_store_idx %arg20[%get3A_175], %get3A_179 masked %eq3A_196 : memref<25008xi32, #tpu.memory_space<vmem>>[vector<16xi32>], vector<16xi32>, vector<16xi1>
    tpu.vector_store_idx %arg21[%get3A_177], %get3A_181 masked %eq3A_196 : memref<25008xi32, #tpu.memory_space<vmem>>[vector<16xi32>], vector<16xi32>, vector<16xi1>
    %eq3A_197 = arith.constant 5 : i32
    %eq3A_198 = vector.broadcast %eq3A_197 : i32 to vector<16xi32>
    %eq3A_199 = arith.cmpi eq, %iota3A, %eq3A_198 : vector<16xi32>
    tpu.vector_store_idx %arg20[%get3A_175], %get3A_179 masked %eq3A_199 : memref<25008xi32, #tpu.memory_space<vmem>>[vector<16xi32>], vector<16xi32>, vector<16xi1>
    tpu.vector_store_idx %arg21[%get3A_177], %get3A_181 masked %eq3A_199 : memref<25008xi32, #tpu.memory_space<vmem>>[vector<16xi32>], vector<16xi32>, vector<16xi1>
    %eq3A_200 = arith.constant 6 : i32
    %eq3A_201 = vector.broadcast %eq3A_200 : i32 to vector<16xi32>
    %eq3A_202 = arith.cmpi eq, %iota3A, %eq3A_201 : vector<16xi32>
    tpu.vector_store_idx %arg20[%get3A_175], %get3A_179 masked %eq3A_202 : memref<25008xi32, #tpu.memory_space<vmem>>[vector<16xi32>], vector<16xi32>, vector<16xi1>
    tpu.vector_store_idx %arg21[%get3A_177], %get3A_181 masked %eq3A_202 : memref<25008xi32, #tpu.memory_space<vmem>>[vector<16xi32>], vector<16xi32>, vector<16xi1>
    %eq3A_203 = arith.constant 7 : i32
    %eq3A_204 = vector.broadcast %eq3A_203 : i32 to vector<16xi32>
    %eq3A_205 = arith.cmpi eq, %iota3A, %eq3A_204 : vector<16xi32>
    tpu.vector_store_idx %arg20[%get3A_175], %get3A_179 masked %eq3A_205 : memref<25008xi32, #tpu.memory_space<vmem>>[vector<16xi32>], vector<16xi32>, vector<16xi1>
    tpu.vector_store_idx %arg21[%get3A_177], %get3A_181 masked %eq3A_205 : memref<25008xi32, #tpu.memory_space<vmem>>[vector<16xi32>], vector<16xi32>, vector<16xi1>
    %eq3A_206 = arith.constant 8 : i32
    %eq3A_207 = vector.broadcast %eq3A_206 : i32 to vector<16xi32>
    %eq3A_208 = arith.cmpi eq, %iota3A, %eq3A_207 : vector<16xi32>
    tpu.vector_store_idx %arg20[%get3A_175], %get3A_179 masked %eq3A_208 : memref<25008xi32, #tpu.memory_space<vmem>>[vector<16xi32>], vector<16xi32>, vector<16xi1>
    tpu.vector_store_idx %arg21[%get3A_177], %get3A_181 masked %eq3A_208 : memref<25008xi32, #tpu.memory_space<vmem>>[vector<16xi32>], vector<16xi32>, vector<16xi1>
    %eq3A_209 = arith.constant 9 : i32
    %eq3A_210 = vector.broadcast %eq3A_209 : i32 to vector<16xi32>
    %eq3A_211 = arith.cmpi eq, %iota3A, %eq3A_210 : vector<16xi32>
    tpu.vector_store_idx %arg20[%get3A_175], %get3A_179 masked %eq3A_211 : memref<25008xi32, #tpu.memory_space<vmem>>[vector<16xi32>], vector<16xi32>, vector<16xi1>
    tpu.vector_store_idx %arg21[%get3A_177], %get3A_181 masked %eq3A_211 : memref<25008xi32, #tpu.memory_space<vmem>>[vector<16xi32>], vector<16xi32>, vector<16xi1>
    %eq3A_212 = arith.constant 10 : i32
    %eq3A_213 = vector.broadcast %eq3A_212 : i32 to vector<16xi32>
    %eq3A_214 = arith.cmpi eq, %iota3A, %eq3A_213 : vector<16xi32>
    tpu.vector_store_idx %arg20[%get3A_175], %get3A_179 masked %eq3A_214 : memref<25008xi32, #tpu.memory_space<vmem>>[vector<16xi32>], vector<16xi32>, vector<16xi1>
    tpu.vector_store_idx %arg21[%get3A_177], %get3A_181 masked %eq3A_214 : memref<25008xi32, #tpu.memory_space<vmem>>[vector<16xi32>], vector<16xi32>, vector<16xi1>
    %eq3A_215 = arith.constant 11 : i32
    %eq3A_216 = vector.broadcast %eq3A_215 : i32 to vector<16xi32>
    %eq3A_217 = arith.cmpi eq, %iota3A, %eq3A_216 : vector<16xi32>
    tpu.vector_store_idx %arg20[%get3A_175], %get3A_179 masked %eq3A_217 : memref<25008xi32, #tpu.memory_space<vmem>>[vector<16xi32>], vector<16xi32>, vector<16xi1>
    tpu.vector_store_idx %arg21[%get3A_177], %get3A_181 masked %eq3A_217 : memref<25008xi32, #tpu.memory_space<vmem>>[vector<16xi32>], vector<16xi32>, vector<16xi1>
    %eq3A_218 = arith.constant 12 : i32
    %eq3A_219 = vector.broadcast %eq3A_218 : i32 to vector<16xi32>
    %eq3A_220 = arith.cmpi eq, %iota3A, %eq3A_219 : vector<16xi32>
    tpu.vector_store_idx %arg20[%get3A_175], %get3A_179 masked %eq3A_220 : memref<25008xi32, #tpu.memory_space<vmem>>[vector<16xi32>], vector<16xi32>, vector<16xi1>
    tpu.vector_store_idx %arg21[%get3A_177], %get3A_181 masked %eq3A_220 : memref<25008xi32, #tpu.memory_space<vmem>>[vector<16xi32>], vector<16xi32>, vector<16xi1>
    %eq3A_221 = arith.constant 13 : i32
    %eq3A_222 = vector.broadcast %eq3A_221 : i32 to vector<16xi32>
    %eq3A_223 = arith.cmpi eq, %iota3A, %eq3A_222 : vector<16xi32>
    tpu.vector_store_idx %arg20[%get3A_175], %get3A_179 masked %eq3A_223 : memref<25008xi32, #tpu.memory_space<vmem>>[vector<16xi32>], vector<16xi32>, vector<16xi1>
    tpu.vector_store_idx %arg21[%get3A_177], %get3A_181 masked %eq3A_223 : memref<25008xi32, #tpu.memory_space<vmem>>[vector<16xi32>], vector<16xi32>, vector<16xi1>
    %eq3A_224 = arith.constant 14 : i32
    %eq3A_225 = vector.broadcast %eq3A_224 : i32 to vector<16xi32>
    %eq3A_226 = arith.cmpi eq, %iota3A, %eq3A_225 : vector<16xi32>
    tpu.vector_store_idx %arg20[%get3A_175], %get3A_179 masked %eq3A_226 : memref<25008xi32, #tpu.memory_space<vmem>>[vector<16xi32>], vector<16xi32>, vector<16xi1>
    tpu.vector_store_idx %arg21[%get3A_177], %get3A_181 masked %eq3A_226 : memref<25008xi32, #tpu.memory_space<vmem>>[vector<16xi32>], vector<16xi32>, vector<16xi1>
    %eq3A_227 = arith.constant 15 : i32
    %eq3A_228 = vector.broadcast %eq3A_227 : i32 to vector<16xi32>
    %eq3A_229 = arith.cmpi eq, %iota3A, %eq3A_228 : vector<16xi32>
    tpu.vector_store_idx %arg20[%get3A_175], %get3A_179 masked %eq3A_229 : memref<25008xi32, #tpu.memory_space<vmem>>[vector<16xi32>], vector<16xi32>, vector<16xi1>
    tpu.vector_store_idx %arg21[%get3A_177], %get3A_181 masked %eq3A_229 : memref<25008xi32, #tpu.memory_space<vmem>>[vector<16xi32>], vector<16xi32>, vector<16xi1>
    %get3A_230 = arith.constant 64 : index
    %get3A_231 = tpu.vector_load %arg26[%get3A_230] {strides = array<i32>} : memref<128xi32, #tpu.memory_space<vmem>>, vector<16xi32>,
    %get3A_232 = arith.constant 64 : index
    %get3A_233 = tpu.vector_load %arg27[%get3A_232] {strides = array<i32>} : memref<128xi32, #tpu.memory_space<vmem>>, vector<16xi32>,
    %get3A_234 = arith.constant 64 : index
    %get3A_235 = tpu.vector_load %arg28[%get3A_234] {strides = array<i32>} : memref<128xi32, #tpu.memory_space<vmem>>, vector<16xi32>,
    %get3A_236 = arith.constant 64 : index
    %get3A_237 = tpu.vector_load %arg29[%get3A_236] {strides = array<i32>} : memref<128xi32, #tpu.memory_space<vmem>>, vector<16xi32>,
    %eq3A_238 = arith.constant 0 : i32
    %eq3A_239 = vector.broadcast %eq3A_238 : i32 to vector<16xi32>
    %eq3A_240 = arith.cmpi eq, %iota3A, %eq3A_239 : vector<16xi32>
    tpu.vector_store_idx %arg20[%get3A_231], %get3A_235 masked %eq3A_240 : memref<25008xi32, #tpu.memory_space<vmem>>[vector<16xi32>], vector<16xi32>, vector<16xi1>
    tpu.vector_store_idx %arg21[%get3A_233], %get3A_237 masked %eq3A_240 : memref<25008xi32, #tpu.memory_space<vmem>>[vector<16xi32>], vector<16xi32>, vector<16xi1>
    %eq3A_241 = arith.constant 1 : i32
    %eq3A_242 = vector.broadcast %eq3A_241 : i32 to vector<16xi32>
    %eq3A_243 = arith.cmpi eq, %iota3A, %eq3A_242 : vector<16xi32>
    tpu.vector_store_idx %arg20[%get3A_231], %get3A_235 masked %eq3A_243 : memref<25008xi32, #tpu.memory_space<vmem>>[vector<16xi32>], vector<16xi32>, vector<16xi1>
    tpu.vector_store_idx %arg21[%get3A_233], %get3A_237 masked %eq3A_243 : memref<25008xi32, #tpu.memory_space<vmem>>[vector<16xi32>], vector<16xi32>, vector<16xi1>
    %eq3A_244 = arith.constant 2 : i32
    %eq3A_245 = vector.broadcast %eq3A_244 : i32 to vector<16xi32>
    %eq3A_246 = arith.cmpi eq, %iota3A, %eq3A_245 : vector<16xi32>
    tpu.vector_store_idx %arg20[%get3A_231], %get3A_235 masked %eq3A_246 : memref<25008xi32, #tpu.memory_space<vmem>>[vector<16xi32>], vector<16xi32>, vector<16xi1>
    tpu.vector_store_idx %arg21[%get3A_233], %get3A_237 masked %eq3A_246 : memref<25008xi32, #tpu.memory_space<vmem>>[vector<16xi32>], vector<16xi32>, vector<16xi1>
    %eq3A_247 = arith.constant 3 : i32
    %eq3A_248 = vector.broadcast %eq3A_247 : i32 to vector<16xi32>
    %eq3A_249 = arith.cmpi eq, %iota3A, %eq3A_248 : vector<16xi32>
    tpu.vector_store_idx %arg20[%get3A_231], %get3A_235 masked %eq3A_249 : memref<25008xi32, #tpu.memory_space<vmem>>[vector<16xi32>], vector<16xi32>, vector<16xi1>
    tpu.vector_store_idx %arg21[%get3A_233], %get3A_237 masked %eq3A_249 : memref<25008xi32, #tpu.memory_space<vmem>>[vector<16xi32>], vector<16xi32>, vector<16xi1>
    %eq3A_250 = arith.constant 4 : i32
    %eq3A_251 = vector.broadcast %eq3A_250 : i32 to vector<16xi32>
    %eq3A_252 = arith.cmpi eq, %iota3A, %eq3A_251 : vector<16xi32>
    tpu.vector_store_idx %arg20[%get3A_231], %get3A_235 masked %eq3A_252 : memref<25008xi32, #tpu.memory_space<vmem>>[vector<16xi32>], vector<16xi32>, vector<16xi1>
    tpu.vector_store_idx %arg21[%get3A_233], %get3A_237 masked %eq3A_252 : memref<25008xi32, #tpu.memory_space<vmem>>[vector<16xi32>], vector<16xi32>, vector<16xi1>
    %eq3A_253 = arith.constant 5 : i32
    %eq3A_254 = vector.broadcast %eq3A_253 : i32 to vector<16xi32>
    %eq3A_255 = arith.cmpi eq, %iota3A, %eq3A_254 : vector<16xi32>
    tpu.vector_store_idx %arg20[%get3A_231], %get3A_235 masked %eq3A_255 : memref<25008xi32, #tpu.memory_space<vmem>>[vector<16xi32>], vector<16xi32>, vector<16xi1>
    tpu.vector_store_idx %arg21[%get3A_233], %get3A_237 masked %eq3A_255 : memref<25008xi32, #tpu.memory_space<vmem>>[vector<16xi32>], vector<16xi32>, vector<16xi1>
    %eq3A_256 = arith.constant 6 : i32
    %eq3A_257 = vector.broadcast %eq3A_256 : i32 to vector<16xi32>
    %eq3A_258 = arith.cmpi eq, %iota3A, %eq3A_257 : vector<16xi32>
    tpu.vector_store_idx %arg20[%get3A_231], %get3A_235 masked %eq3A_258 : memref<25008xi32, #tpu.memory_space<vmem>>[vector<16xi32>], vector<16xi32>, vector<16xi1>
    tpu.vector_store_idx %arg21[%get3A_233], %get3A_237 masked %eq3A_258 : memref<25008xi32, #tpu.memory_space<vmem>>[vector<16xi32>], vector<16xi32>, vector<16xi1>
    %eq3A_259 = arith.constant 7 : i32
    %eq3A_260 = vector.broadcast %eq3A_259 : i32 to vector<16xi32>
    %eq3A_261 = arith.cmpi eq, %iota3A, %eq3A_260 : vector<16xi32>
    tpu.vector_store_idx %arg20[%get3A_231], %get3A_235 masked %eq3A_261 : memref<25008xi32, #tpu.memory_space<vmem>>[vector<16xi32>], vector<16xi32>, vector<16xi1>
    tpu.vector_store_idx %arg21[%get3A_233], %get3A_237 masked %eq3A_261 : memref<25008xi32, #tpu.memory_space<vmem>>[vector<16xi32>], vector<16xi32>, vector<16xi1>
    %eq3A_262 = arith.constant 8 : i32
    %eq3A_263 = vector.broadcast %eq3A_262 : i32 to vector<16xi32>
    %eq3A_264 = arith.cmpi eq, %iota3A, %eq3A_263 : vector<16xi32>
    tpu.vector_store_idx %arg20[%get3A_231], %get3A_235 masked %eq3A_264 : memref<25008xi32, #tpu.memory_space<vmem>>[vector<16xi32>], vector<16xi32>, vector<16xi1>
    tpu.vector_store_idx %arg21[%get3A_233], %get3A_237 masked %eq3A_264 : memref<25008xi32, #tpu.memory_space<vmem>>[vector<16xi32>], vector<16xi32>, vector<16xi1>
    %eq3A_265 = arith.constant 9 : i32
    %eq3A_266 = vector.broadcast %eq3A_265 : i32 to vector<16xi32>
    %eq3A_267 = arith.cmpi eq, %iota3A, %eq3A_266 : vector<16xi32>
    tpu.vector_store_idx %arg20[%get3A_231], %get3A_235 masked %eq3A_267 : memref<25008xi32, #tpu.memory_space<vmem>>[vector<16xi32>], vector<16xi32>, vector<16xi1>
    tpu.vector_store_idx %arg21[%get3A_233], %get3A_237 masked %eq3A_267 : memref<25008xi32, #tpu.memory_space<vmem>>[vector<16xi32>], vector<16xi32>, vector<16xi1>
    %eq3A_268 = arith.constant 10 : i32
    %eq3A_269 = vector.broadcast %eq3A_268 : i32 to vector<16xi32>
    %eq3A_270 = arith.cmpi eq, %iota3A, %eq3A_269 : vector<16xi32>
    tpu.vector_store_idx %arg20[%get3A_231], %get3A_235 masked %eq3A_270 : memref<25008xi32, #tpu.memory_space<vmem>>[vector<16xi32>], vector<16xi32>, vector<16xi1>
    tpu.vector_store_idx %arg21[%get3A_233], %get3A_237 masked %eq3A_270 : memref<25008xi32, #tpu.memory_space<vmem>>[vector<16xi32>], vector<16xi32>, vector<16xi1>
    %eq3A_271 = arith.constant 11 : i32
    %eq3A_272 = vector.broadcast %eq3A_271 : i32 to vector<16xi32>
    %eq3A_273 = arith.cmpi eq, %iota3A, %eq3A_272 : vector<16xi32>
    tpu.vector_store_idx %arg20[%get3A_231], %get3A_235 masked %eq3A_273 : memref<25008xi32, #tpu.memory_space<vmem>>[vector<16xi32>], vector<16xi32>, vector<16xi1>
    tpu.vector_store_idx %arg21[%get3A_233], %get3A_237 masked %eq3A_273 : memref<25008xi32, #tpu.memory_space<vmem>>[vector<16xi32>], vector<16xi32>, vector<16xi1>
    %eq3A_274 = arith.constant 12 : i32
    %eq3A_275 = vector.broadcast %eq3A_274 : i32 to vector<16xi32>
    %eq3A_276 = arith.cmpi eq, %iota3A, %eq3A_275 : vector<16xi32>
    tpu.vector_store_idx %arg20[%get3A_231], %get3A_235 masked %eq3A_276 : memref<25008xi32, #tpu.memory_space<vmem>>[vector<16xi32>], vector<16xi32>, vector<16xi1>
    tpu.vector_store_idx %arg21[%get3A_233], %get3A_237 masked %eq3A_276 : memref<25008xi32, #tpu.memory_space<vmem>>[vector<16xi32>], vector<16xi32>, vector<16xi1>
    %eq3A_277 = arith.constant 13 : i32
    %eq3A_278 = vector.broadcast %eq3A_277 : i32 to vector<16xi32>
    %eq3A_279 = arith.cmpi eq, %iota3A, %eq3A_278 : vector<16xi32>
    tpu.vector_store_idx %arg20[%get3A_231], %get3A_235 masked %eq3A_279 : memref<25008xi32, #tpu.memory_space<vmem>>[vector<16xi32>], vector<16xi32>, vector<16xi1>
    tpu.vector_store_idx %arg21[%get3A_233], %get3A_237 masked %eq3A_279 : memref<25008xi32, #tpu.memory_space<vmem>>[vector<16xi32>], vector<16xi32>, vector<16xi1>
    %eq3A_280 = arith.constant 14 : i32
    %eq3A_281 = vector.broadcast %eq3A_280 : i32 to vector<16xi32>
    %eq3A_282 = arith.cmpi eq, %iota3A, %eq3A_281 : vector<16xi32>
    tpu.vector_store_idx %arg20[%get3A_231], %get3A_235 masked %eq3A_282 : memref<25008xi32, #tpu.memory_space<vmem>>[vector<16xi32>], vector<16xi32>, vector<16xi1>
    tpu.vector_store_idx %arg21[%get3A_233], %get3A_237 masked %eq3A_282 : memref<25008xi32, #tpu.memory_space<vmem>>[vector<16xi32>], vector<16xi32>, vector<16xi1>
    %eq3A_283 = arith.constant 15 : i32
    %eq3A_284 = vector.broadcast %eq3A_283 : i32 to vector<16xi32>
    %eq3A_285 = arith.cmpi eq, %iota3A, %eq3A_284 : vector<16xi32>
    tpu.vector_store_idx %arg20[%get3A_231], %get3A_235 masked %eq3A_285 : memref<25008xi32, #tpu.memory_space<vmem>>[vector<16xi32>], vector<16xi32>, vector<16xi1>
    tpu.vector_store_idx %arg21[%get3A_233], %get3A_237 masked %eq3A_285 : memref<25008xi32, #tpu.memory_space<vmem>>[vector<16xi32>], vector<16xi32>, vector<16xi1>
    %get3A_286 = arith.constant 80 : index
    %get3A_287 = tpu.vector_load %arg26[%get3A_286] {strides = array<i32>} : memref<128xi32, #tpu.memory_space<vmem>>, vector<16xi32>,
    %get3A_288 = arith.constant 80 : index
    %get3A_289 = tpu.vector_load %arg27[%get3A_288] {strides = array<i32>} : memref<128xi32, #tpu.memory_space<vmem>>, vector<16xi32>,
    %get3A_290 = arith.constant 80 : index
    %get3A_291 = tpu.vector_load %arg28[%get3A_290] {strides = array<i32>} : memref<128xi32, #tpu.memory_space<vmem>>, vector<16xi32>,
    %get3A_292 = arith.constant 80 : index
    %get3A_293 = tpu.vector_load %arg29[%get3A_292] {strides = array<i32>} : memref<128xi32, #tpu.memory_space<vmem>>, vector<16xi32>,
    %eq3A_294 = arith.constant 0 : i32
    %eq3A_295 = vector.broadcast %eq3A_294 : i32 to vector<16xi32>
    %eq3A_296 = arith.cmpi eq, %iota3A, %eq3A_295 : vector<16xi32>
    tpu.vector_store_idx %arg20[%get3A_287], %get3A_291 masked %eq3A_296 : memref<25008xi32, #tpu.memory_space<vmem>>[vector<16xi32>], vector<16xi32>, vector<16xi1>
    tpu.vector_store_idx %arg21[%get3A_289], %get3A_293 masked %eq3A_296 : memref<25008xi32, #tpu.memory_space<vmem>>[vector<16xi32>], vector<16xi32>, vector<16xi1>
    %eq3A_297 = arith.constant 1 : i32
    %eq3A_298 = vector.broadcast %eq3A_297 : i32 to vector<16xi32>
    %eq3A_299 = arith.cmpi eq, %iota3A, %eq3A_298 : vector<16xi32>
    tpu.vector_store_idx %arg20[%get3A_287], %get3A_291 masked %eq3A_299 : memref<25008xi32, #tpu.memory_space<vmem>>[vector<16xi32>], vector<16xi32>, vector<16xi1>
    tpu.vector_store_idx %arg21[%get3A_289], %get3A_293 masked %eq3A_299 : memref<25008xi32, #tpu.memory_space<vmem>>[vector<16xi32>], vector<16xi32>, vector<16xi1>
    %eq3A_300 = arith.constant 2 : i32
    %eq3A_301 = vector.broadcast %eq3A_300 : i32 to vector<16xi32>
    %eq3A_302 = arith.cmpi eq, %iota3A, %eq3A_301 : vector<16xi32>
    tpu.vector_store_idx %arg20[%get3A_287], %get3A_291 masked %eq3A_302 : memref<25008xi32, #tpu.memory_space<vmem>>[vector<16xi32>], vector<16xi32>, vector<16xi1>
    tpu.vector_store_idx %arg21[%get3A_289], %get3A_293 masked %eq3A_302 : memref<25008xi32, #tpu.memory_space<vmem>>[vector<16xi32>], vector<16xi32>, vector<16xi1>
    %eq3A_303 = arith.constant 3 : i32
    %eq3A_304 = vector.broadcast %eq3A_303 : i32 to vector<16xi32>
    %eq3A_305 = arith.cmpi eq, %iota3A, %eq3A_304 : vector<16xi32>
    tpu.vector_store_idx %arg20[%get3A_287], %get3A_291 masked %eq3A_305 : memref<25008xi32, #tpu.memory_space<vmem>>[vector<16xi32>], vector<16xi32>, vector<16xi1>
    tpu.vector_store_idx %arg21[%get3A_289], %get3A_293 masked %eq3A_305 : memref<25008xi32, #tpu.memory_space<vmem>>[vector<16xi32>], vector<16xi32>, vector<16xi1>
    %eq3A_306 = arith.constant 4 : i32
    %eq3A_307 = vector.broadcast %eq3A_306 : i32 to vector<16xi32>
    %eq3A_308 = arith.cmpi eq, %iota3A, %eq3A_307 : vector<16xi32>
    tpu.vector_store_idx %arg20[%get3A_287], %get3A_291 masked %eq3A_308 : memref<25008xi32, #tpu.memory_space<vmem>>[vector<16xi32>], vector<16xi32>, vector<16xi1>
    tpu.vector_store_idx %arg21[%get3A_289], %get3A_293 masked %eq3A_308 : memref<25008xi32, #tpu.memory_space<vmem>>[vector<16xi32>], vector<16xi32>, vector<16xi1>
    %eq3A_309 = arith.constant 5 : i32
    %eq3A_310 = vector.broadcast %eq3A_309 : i32 to vector<16xi32>
    %eq3A_311 = arith.cmpi eq, %iota3A, %eq3A_310 : vector<16xi32>
    tpu.vector_store_idx %arg20[%get3A_287], %get3A_291 masked %eq3A_311 : memref<25008xi32, #tpu.memory_space<vmem>>[vector<16xi32>], vector<16xi32>, vector<16xi1>
    tpu.vector_store_idx %arg21[%get3A_289], %get3A_293 masked %eq3A_311 : memref<25008xi32, #tpu.memory_space<vmem>>[vector<16xi32>], vector<16xi32>, vector<16xi1>
    %eq3A_312 = arith.constant 6 : i32
    %eq3A_313 = vector.broadcast %eq3A_312 : i32 to vector<16xi32>
    %eq3A_314 = arith.cmpi eq, %iota3A, %eq3A_313 : vector<16xi32>
    tpu.vector_store_idx %arg20[%get3A_287], %get3A_291 masked %eq3A_314 : memref<25008xi32, #tpu.memory_space<vmem>>[vector<16xi32>], vector<16xi32>, vector<16xi1>
    tpu.vector_store_idx %arg21[%get3A_289], %get3A_293 masked %eq3A_314 : memref<25008xi32, #tpu.memory_space<vmem>>[vector<16xi32>], vector<16xi32>, vector<16xi1>
    %eq3A_315 = arith.constant 7 : i32
    %eq3A_316 = vector.broadcast %eq3A_315 : i32 to vector<16xi32>
    %eq3A_317 = arith.cmpi eq, %iota3A, %eq3A_316 : vector<16xi32>
    tpu.vector_store_idx %arg20[%get3A_287], %get3A_291 masked %eq3A_317 : memref<25008xi32, #tpu.memory_space<vmem>>[vector<16xi32>], vector<16xi32>, vector<16xi1>
    tpu.vector_store_idx %arg21[%get3A_289], %get3A_293 masked %eq3A_317 : memref<25008xi32, #tpu.memory_space<vmem>>[vector<16xi32>], vector<16xi32>, vector<16xi1>
    %eq3A_318 = arith.constant 8 : i32
    %eq3A_319 = vector.broadcast %eq3A_318 : i32 to vector<16xi32>
    %eq3A_320 = arith.cmpi eq, %iota3A, %eq3A_319 : vector<16xi32>
    tpu.vector_store_idx %arg20[%get3A_287], %get3A_291 masked %eq3A_320 : memref<25008xi32, #tpu.memory_space<vmem>>[vector<16xi32>], vector<16xi32>, vector<16xi1>
    tpu.vector_store_idx %arg21[%get3A_289], %get3A_293 masked %eq3A_320 : memref<25008xi32, #tpu.memory_space<vmem>>[vector<16xi32>], vector<16xi32>, vector<16xi1>
    %eq3A_321 = arith.constant 9 : i32
    %eq3A_322 = vector.broadcast %eq3A_321 : i32 to vector<16xi32>
    %eq3A_323 = arith.cmpi eq, %iota3A, %eq3A_322 : vector<16xi32>
    tpu.vector_store_idx %arg20[%get3A_287], %get3A_291 masked %eq3A_323 : memref<25008xi32, #tpu.memory_space<vmem>>[vector<16xi32>], vector<16xi32>, vector<16xi1>
    tpu.vector_store_idx %arg21[%get3A_289], %get3A_293 masked %eq3A_323 : memref<25008xi32, #tpu.memory_space<vmem>>[vector<16xi32>], vector<16xi32>, vector<16xi1>
    %eq3A_324 = arith.constant 10 : i32
    %eq3A_325 = vector.broadcast %eq3A_324 : i32 to vector<16xi32>
    %eq3A_326 = arith.cmpi eq, %iota3A, %eq3A_325 : vector<16xi32>
    tpu.vector_store_idx %arg20[%get3A_287], %get3A_291 masked %eq3A_326 : memref<25008xi32, #tpu.memory_space<vmem>>[vector<16xi32>], vector<16xi32>, vector<16xi1>
    tpu.vector_store_idx %arg21[%get3A_289], %get3A_293 masked %eq3A_326 : memref<25008xi32, #tpu.memory_space<vmem>>[vector<16xi32>], vector<16xi32>, vector<16xi1>
    %eq3A_327 = arith.constant 11 : i32
    %eq3A_328 = vector.broadcast %eq3A_327 : i32 to vector<16xi32>
    %eq3A_329 = arith.cmpi eq, %iota3A, %eq3A_328 : vector<16xi32>
    tpu.vector_store_idx %arg20[%get3A_287], %get3A_291 masked %eq3A_329 : memref<25008xi32, #tpu.memory_space<vmem>>[vector<16xi32>], vector<16xi32>, vector<16xi1>
    tpu.vector_store_idx %arg21[%get3A_289], %get3A_293 masked %eq3A_329 : memref<25008xi32, #tpu.memory_space<vmem>>[vector<16xi32>], vector<16xi32>, vector<16xi1>
    %eq3A_330 = arith.constant 12 : i32
    %eq3A_331 = vector.broadcast %eq3A_330 : i32 to vector<16xi32>
    %eq3A_332 = arith.cmpi eq, %iota3A, %eq3A_331 : vector<16xi32>
    tpu.vector_store_idx %arg20[%get3A_287], %get3A_291 masked %eq3A_332 : memref<25008xi32, #tpu.memory_space<vmem>>[vector<16xi32>], vector<16xi32>, vector<16xi1>
    tpu.vector_store_idx %arg21[%get3A_289], %get3A_293 masked %eq3A_332 : memref<25008xi32, #tpu.memory_space<vmem>>[vector<16xi32>], vector<16xi32>, vector<16xi1>
    %eq3A_333 = arith.constant 13 : i32
    %eq3A_334 = vector.broadcast %eq3A_333 : i32 to vector<16xi32>
    %eq3A_335 = arith.cmpi eq, %iota3A, %eq3A_334 : vector<16xi32>
    tpu.vector_store_idx %arg20[%get3A_287], %get3A_291 masked %eq3A_335 : memref<25008xi32, #tpu.memory_space<vmem>>[vector<16xi32>], vector<16xi32>, vector<16xi1>
    tpu.vector_store_idx %arg21[%get3A_289], %get3A_293 masked %eq3A_335 : memref<25008xi32, #tpu.memory_space<vmem>>[vector<16xi32>], vector<16xi32>, vector<16xi1>
    %eq3A_336 = arith.constant 14 : i32
    %eq3A_337 = vector.broadcast %eq3A_336 : i32 to vector<16xi32>
    %eq3A_338 = arith.cmpi eq, %iota3A, %eq3A_337 : vector<16xi32>
    tpu.vector_store_idx %arg20[%get3A_287], %get3A_291 masked %eq3A_338 : memref<25008xi32, #tpu.memory_space<vmem>>[vector<16xi32>], vector<16xi32>, vector<16xi1>
    tpu.vector_store_idx %arg21[%get3A_289], %get3A_293 masked %eq3A_338 : memref<25008xi32, #tpu.memory_space<vmem>>[vector<16xi32>], vector<16xi32>, vector<16xi1>
    %eq3A_339 = arith.constant 15 : i32
    %eq3A_340 = vector.broadcast %eq3A_339 : i32 to vector<16xi32>
    %eq3A_341 = arith.cmpi eq, %iota3A, %eq3A_340 : vector<16xi32>
    tpu.vector_store_idx %arg20[%get3A_287], %get3A_291 masked %eq3A_341 : memref<25008xi32, #tpu.memory_space<vmem>>[vector<16xi32>], vector<16xi32>, vector<16xi1>
    tpu.vector_store_idx %arg21[%get3A_289], %get3A_293 masked %eq3A_341 : memref<25008xi32, #tpu.memory_space<vmem>>[vector<16xi32>], vector<16xi32>, vector<16xi1>
    %get3A_342 = arith.constant 96 : index
    %get3A_343 = tpu.vector_load %arg26[%get3A_342] {strides = array<i32>} : memref<128xi32, #tpu.memory_space<vmem>>, vector<16xi32>,
    %get3A_344 = arith.constant 96 : index
    %get3A_345 = tpu.vector_load %arg27[%get3A_344] {strides = array<i32>} : memref<128xi32, #tpu.memory_space<vmem>>, vector<16xi32>,
    %get3A_346 = arith.constant 96 : index
    %get3A_347 = tpu.vector_load %arg28[%get3A_346] {strides = array<i32>} : memref<128xi32, #tpu.memory_space<vmem>>, vector<16xi32>,
    %get3A_348 = arith.constant 96 : index
    %get3A_349 = tpu.vector_load %arg29[%get3A_348] {strides = array<i32>} : memref<128xi32, #tpu.memory_space<vmem>>, vector<16xi32>,
    %eq3A_350 = arith.constant 0 : i32
    %eq3A_351 = vector.broadcast %eq3A_350 : i32 to vector<16xi32>
    %eq3A_352 = arith.cmpi eq, %iota3A, %eq3A_351 : vector<16xi32>
    tpu.vector_store_idx %arg20[%get3A_343], %get3A_347 masked %eq3A_352 : memref<25008xi32, #tpu.memory_space<vmem>>[vector<16xi32>], vector<16xi32>, vector<16xi1>
    tpu.vector_store_idx %arg21[%get3A_345], %get3A_349 masked %eq3A_352 : memref<25008xi32, #tpu.memory_space<vmem>>[vector<16xi32>], vector<16xi32>, vector<16xi1>
    %eq3A_353 = arith.constant 1 : i32
    %eq3A_354 = vector.broadcast %eq3A_353 : i32 to vector<16xi32>
    %eq3A_355 = arith.cmpi eq, %iota3A, %eq3A_354 : vector<16xi32>
    tpu.vector_store_idx %arg20[%get3A_343], %get3A_347 masked %eq3A_355 : memref<25008xi32, #tpu.memory_space<vmem>>[vector<16xi32>], vector<16xi32>, vector<16xi1>
    tpu.vector_store_idx %arg21[%get3A_345], %get3A_349 masked %eq3A_355 : memref<25008xi32, #tpu.memory_space<vmem>>[vector<16xi32>], vector<16xi32>, vector<16xi1>
    %eq3A_356 = arith.constant 2 : i32
    %eq3A_357 = vector.broadcast %eq3A_356 : i32 to vector<16xi32>
    %eq3A_358 = arith.cmpi eq, %iota3A, %eq3A_357 : vector<16xi32>
    tpu.vector_store_idx %arg20[%get3A_343], %get3A_347 masked %eq3A_358 : memref<25008xi32, #tpu.memory_space<vmem>>[vector<16xi32>], vector<16xi32>, vector<16xi1>
    tpu.vector_store_idx %arg21[%get3A_345], %get3A_349 masked %eq3A_358 : memref<25008xi32, #tpu.memory_space<vmem>>[vector<16xi32>], vector<16xi32>, vector<16xi1>
    %eq3A_359 = arith.constant 3 : i32
    %eq3A_360 = vector.broadcast %eq3A_359 : i32 to vector<16xi32>
    %eq3A_361 = arith.cmpi eq, %iota3A, %eq3A_360 : vector<16xi32>
    tpu.vector_store_idx %arg20[%get3A_343], %get3A_347 masked %eq3A_361 : memref<25008xi32, #tpu.memory_space<vmem>>[vector<16xi32>], vector<16xi32>, vector<16xi1>
    tpu.vector_store_idx %arg21[%get3A_345], %get3A_349 masked %eq3A_361 : memref<25008xi32, #tpu.memory_space<vmem>>[vector<16xi32>], vector<16xi32>, vector<16xi1>
    %eq3A_362 = arith.constant 4 : i32
    %eq3A_363 = vector.broadcast %eq3A_362 : i32 to vector<16xi32>
    %eq3A_364 = arith.cmpi eq, %iota3A, %eq3A_363 : vector<16xi32>
    tpu.vector_store_idx %arg20[%get3A_343], %get3A_347 masked %eq3A_364 : memref<25008xi32, #tpu.memory_space<vmem>>[vector<16xi32>], vector<16xi32>, vector<16xi1>
    tpu.vector_store_idx %arg21[%get3A_345], %get3A_349 masked %eq3A_364 : memref<25008xi32, #tpu.memory_space<vmem>>[vector<16xi32>], vector<16xi32>, vector<16xi1>
    %eq3A_365 = arith.constant 5 : i32
    %eq3A_366 = vector.broadcast %eq3A_365 : i32 to vector<16xi32>
    %eq3A_367 = arith.cmpi eq, %iota3A, %eq3A_366 : vector<16xi32>
    tpu.vector_store_idx %arg20[%get3A_343], %get3A_347 masked %eq3A_367 : memref<25008xi32, #tpu.memory_space<vmem>>[vector<16xi32>], vector<16xi32>, vector<16xi1>
    tpu.vector_store_idx %arg21[%get3A_345], %get3A_349 masked %eq3A_367 : memref<25008xi32, #tpu.memory_space<vmem>>[vector<16xi32>], vector<16xi32>, vector<16xi1>
    %eq3A_368 = arith.constant 6 : i32
    %eq3A_369 = vector.broadcast %eq3A_368 : i32 to vector<16xi32>
    %eq3A_370 = arith.cmpi eq, %iota3A, %eq3A_369 : vector<16xi32>
    tpu.vector_store_idx %arg20[%get3A_343], %get3A_347 masked %eq3A_370 : memref<25008xi32, #tpu.memory_space<vmem>>[vector<16xi32>], vector<16xi32>, vector<16xi1>
    tpu.vector_store_idx %arg21[%get3A_345], %get3A_349 masked %eq3A_370 : memref<25008xi32, #tpu.memory_space<vmem>>[vector<16xi32>], vector<16xi32>, vector<16xi1>
    %eq3A_371 = arith.constant 7 : i32
    %eq3A_372 = vector.broadcast %eq3A_371 : i32 to vector<16xi32>
    %eq3A_373 = arith.cmpi eq, %iota3A, %eq3A_372 : vector<16xi32>
    tpu.vector_store_idx %arg20[%get3A_343], %get3A_347 masked %eq3A_373 : memref<25008xi32, #tpu.memory_space<vmem>>[vector<16xi32>], vector<16xi32>, vector<16xi1>
    tpu.vector_store_idx %arg21[%get3A_345], %get3A_349 masked %eq3A_373 : memref<25008xi32, #tpu.memory_space<vmem>>[vector<16xi32>], vector<16xi32>, vector<16xi1>
    %eq3A_374 = arith.constant 8 : i32
    %eq3A_375 = vector.broadcast %eq3A_374 : i32 to vector<16xi32>
    %eq3A_376 = arith.cmpi eq, %iota3A, %eq3A_375 : vector<16xi32>
    tpu.vector_store_idx %arg20[%get3A_343], %get3A_347 masked %eq3A_376 : memref<25008xi32, #tpu.memory_space<vmem>>[vector<16xi32>], vector<16xi32>, vector<16xi1>
    tpu.vector_store_idx %arg21[%get3A_345], %get3A_349 masked %eq3A_376 : memref<25008xi32, #tpu.memory_space<vmem>>[vector<16xi32>], vector<16xi32>, vector<16xi1>
    %eq3A_377 = arith.constant 9 : i32
    %eq3A_378 = vector.broadcast %eq3A_377 : i32 to vector<16xi32>
    %eq3A_379 = arith.cmpi eq, %iota3A, %eq3A_378 : vector<16xi32>
    tpu.vector_store_idx %arg20[%get3A_343], %get3A_347 masked %eq3A_379 : memref<25008xi32, #tpu.memory_space<vmem>>[vector<16xi32>], vector<16xi32>, vector<16xi1>
    tpu.vector_store_idx %arg21[%get3A_345], %get3A_349 masked %eq3A_379 : memref<25008xi32, #tpu.memory_space<vmem>>[vector<16xi32>], vector<16xi32>, vector<16xi1>
    %eq3A_380 = arith.constant 10 : i32
    %eq3A_381 = vector.broadcast %eq3A_380 : i32 to vector<16xi32>
    %eq3A_382 = arith.cmpi eq, %iota3A, %eq3A_381 : vector<16xi32>
    tpu.vector_store_idx %arg20[%get3A_343], %get3A_347 masked %eq3A_382 : memref<25008xi32, #tpu.memory_space<vmem>>[vector<16xi32>], vector<16xi32>, vector<16xi1>
    tpu.vector_store_idx %arg21[%get3A_345], %get3A_349 masked %eq3A_382 : memref<25008xi32, #tpu.memory_space<vmem>>[vector<16xi32>], vector<16xi32>, vector<16xi1>
    %eq3A_383 = arith.constant 11 : i32
    %eq3A_384 = vector.broadcast %eq3A_383 : i32 to vector<16xi32>
    %eq3A_385 = arith.cmpi eq, %iota3A, %eq3A_384 : vector<16xi32>
    tpu.vector_store_idx %arg20[%get3A_343], %get3A_347 masked %eq3A_385 : memref<25008xi32, #tpu.memory_space<vmem>>[vector<16xi32>], vector<16xi32>, vector<16xi1>
    tpu.vector_store_idx %arg21[%get3A_345], %get3A_349 masked %eq3A_385 : memref<25008xi32, #tpu.memory_space<vmem>>[vector<16xi32>], vector<16xi32>, vector<16xi1>
    %eq3A_386 = arith.constant 12 : i32
    %eq3A_387 = vector.broadcast %eq3A_386 : i32 to vector<16xi32>
    %eq3A_388 = arith.cmpi eq, %iota3A, %eq3A_387 : vector<16xi32>
    tpu.vector_store_idx %arg20[%get3A_343], %get3A_347 masked %eq3A_388 : memref<25008xi32, #tpu.memory_space<vmem>>[vector<16xi32>], vector<16xi32>, vector<16xi1>
    tpu.vector_store_idx %arg21[%get3A_345], %get3A_349 masked %eq3A_388 : memref<25008xi32, #tpu.memory_space<vmem>>[vector<16xi32>], vector<16xi32>, vector<16xi1>
    %eq3A_389 = arith.constant 13 : i32
    %eq3A_390 = vector.broadcast %eq3A_389 : i32 to vector<16xi32>
    %eq3A_391 = arith.cmpi eq, %iota3A, %eq3A_390 : vector<16xi32>
    tpu.vector_store_idx %arg20[%get3A_343], %get3A_347 masked %eq3A_391 : memref<25008xi32, #tpu.memory_space<vmem>>[vector<16xi32>], vector<16xi32>, vector<16xi1>
    tpu.vector_store_idx %arg21[%get3A_345], %get3A_349 masked %eq3A_391 : memref<25008xi32, #tpu.memory_space<vmem>>[vector<16xi32>], vector<16xi32>, vector<16xi1>
    %eq3A_392 = arith.constant 14 : i32
    %eq3A_393 = vector.broadcast %eq3A_392 : i32 to vector<16xi32>
    %eq3A_394 = arith.cmpi eq, %iota3A, %eq3A_393 : vector<16xi32>
    tpu.vector_store_idx %arg20[%get3A_343], %get3A_347 masked %eq3A_394 : memref<25008xi32, #tpu.memory_space<vmem>>[vector<16xi32>], vector<16xi32>, vector<16xi1>
    tpu.vector_store_idx %arg21[%get3A_345], %get3A_349 masked %eq3A_394 : memref<25008xi32, #tpu.memory_space<vmem>>[vector<16xi32>], vector<16xi32>, vector<16xi1>
    %eq3A_395 = arith.constant 15 : i32
    %eq3A_396 = vector.broadcast %eq3A_395 : i32 to vector<16xi32>
    %eq3A_397 = arith.cmpi eq, %iota3A, %eq3A_396 : vector<16xi32>
    tpu.vector_store_idx %arg20[%get3A_343], %get3A_347 masked %eq3A_397 : memref<25008xi32, #tpu.memory_space<vmem>>[vector<16xi32>], vector<16xi32>, vector<16xi1>
    tpu.vector_store_idx %arg21[%get3A_345], %get3A_349 masked %eq3A_397 : memref<25008xi32, #tpu.memory_space<vmem>>[vector<16xi32>], vector<16xi32>, vector<16xi1>
    %get3A_398 = arith.constant 112 : index
    %get3A_399 = tpu.vector_load %arg26[%get3A_398] {strides = array<i32>} : memref<128xi32, #tpu.memory_space<vmem>>, vector<16xi32>,
    %get3A_400 = arith.constant 112 : index
    %get3A_401 = tpu.vector_load %arg27[%get3A_400] {strides = array<i32>} : memref<128xi32, #tpu.memory_space<vmem>>, vector<16xi32>,
    %get3A_402 = arith.constant 112 : index
    %get3A_403 = tpu.vector_load %arg28[%get3A_402] {strides = array<i32>} : memref<128xi32, #tpu.memory_space<vmem>>, vector<16xi32>,
    %get3A_404 = arith.constant 112 : index
    %get3A_405 = tpu.vector_load %arg29[%get3A_404] {strides = array<i32>} : memref<128xi32, #tpu.memory_space<vmem>>, vector<16xi32>,
    %eq3A_406 = arith.constant 0 : i32
    %eq3A_407 = vector.broadcast %eq3A_406 : i32 to vector<16xi32>
    %eq3A_408 = arith.cmpi eq, %iota3A, %eq3A_407 : vector<16xi32>
    tpu.vector_store_idx %arg20[%get3A_399], %get3A_403 masked %eq3A_408 : memref<25008xi32, #tpu.memory_space<vmem>>[vector<16xi32>], vector<16xi32>, vector<16xi1>
    tpu.vector_store_idx %arg21[%get3A_401], %get3A_405 masked %eq3A_408 : memref<25008xi32, #tpu.memory_space<vmem>>[vector<16xi32>], vector<16xi32>, vector<16xi1>
    %eq3A_409 = arith.constant 1 : i32
    %eq3A_410 = vector.broadcast %eq3A_409 : i32 to vector<16xi32>
    %eq3A_411 = arith.cmpi eq, %iota3A, %eq3A_410 : vector<16xi32>
    tpu.vector_store_idx %arg20[%get3A_399], %get3A_403 masked %eq3A_411 : memref<25008xi32, #tpu.memory_space<vmem>>[vector<16xi32>], vector<16xi32>, vector<16xi1>
    tpu.vector_store_idx %arg21[%get3A_401], %get3A_405 masked %eq3A_411 : memref<25008xi32, #tpu.memory_space<vmem>>[vector<16xi32>], vector<16xi32>, vector<16xi1>
    %eq3A_412 = arith.constant 2 : i32
    %eq3A_413 = vector.broadcast %eq3A_412 : i32 to vector<16xi32>
    %eq3A_414 = arith.cmpi eq, %iota3A, %eq3A_413 : vector<16xi32>
    tpu.vector_store_idx %arg20[%get3A_399], %get3A_403 masked %eq3A_414 : memref<25008xi32, #tpu.memory_space<vmem>>[vector<16xi32>], vector<16xi32>, vector<16xi1>
    tpu.vector_store_idx %arg21[%get3A_401], %get3A_405 masked %eq3A_414 : memref<25008xi32, #tpu.memory_space<vmem>>[vector<16xi32>], vector<16xi32>, vector<16xi1>
    %eq3A_415 = arith.constant 3 : i32
    %eq3A_416 = vector.broadcast %eq3A_415 : i32 to vector<16xi32>
    %eq3A_417 = arith.cmpi eq, %iota3A, %eq3A_416 : vector<16xi32>
    tpu.vector_store_idx %arg20[%get3A_399], %get3A_403 masked %eq3A_417 : memref<25008xi32, #tpu.memory_space<vmem>>[vector<16xi32>], vector<16xi32>, vector<16xi1>
    tpu.vector_store_idx %arg21[%get3A_401], %get3A_405 masked %eq3A_417 : memref<25008xi32, #tpu.memory_space<vmem>>[vector<16xi32>], vector<16xi32>, vector<16xi1>
    %eq3A_418 = arith.constant 4 : i32
    %eq3A_419 = vector.broadcast %eq3A_418 : i32 to vector<16xi32>
    %eq3A_420 = arith.cmpi eq, %iota3A, %eq3A_419 : vector<16xi32>
    tpu.vector_store_idx %arg20[%get3A_399], %get3A_403 masked %eq3A_420 : memref<25008xi32, #tpu.memory_space<vmem>>[vector<16xi32>], vector<16xi32>, vector<16xi1>
    tpu.vector_store_idx %arg21[%get3A_401], %get3A_405 masked %eq3A_420 : memref<25008xi32, #tpu.memory_space<vmem>>[vector<16xi32>], vector<16xi32>, vector<16xi1>
    %eq3A_421 = arith.constant 5 : i32
    %eq3A_422 = vector.broadcast %eq3A_421 : i32 to vector<16xi32>
    %eq3A_423 = arith.cmpi eq, %iota3A, %eq3A_422 : vector<16xi32>
    tpu.vector_store_idx %arg20[%get3A_399], %get3A_403 masked %eq3A_423 : memref<25008xi32, #tpu.memory_space<vmem>>[vector<16xi32>], vector<16xi32>, vector<16xi1>
    tpu.vector_store_idx %arg21[%get3A_401], %get3A_405 masked %eq3A_423 : memref<25008xi32, #tpu.memory_space<vmem>>[vector<16xi32>], vector<16xi32>, vector<16xi1>
    %eq3A_424 = arith.constant 6 : i32
    %eq3A_425 = vector.broadcast %eq3A_424 : i32 to vector<16xi32>
    %eq3A_426 = arith.cmpi eq, %iota3A, %eq3A_425 : vector<16xi32>
    tpu.vector_store_idx %arg20[%get3A_399], %get3A_403 masked %eq3A_426 : memref<25008xi32, #tpu.memory_space<vmem>>[vector<16xi32>], vector<16xi32>, vector<16xi1>
    tpu.vector_store_idx %arg21[%get3A_401], %get3A_405 masked %eq3A_426 : memref<25008xi32, #tpu.memory_space<vmem>>[vector<16xi32>], vector<16xi32>, vector<16xi1>
    %eq3A_427 = arith.constant 7 : i32
    %eq3A_428 = vector.broadcast %eq3A_427 : i32 to vector<16xi32>
    %eq3A_429 = arith.cmpi eq, %iota3A, %eq3A_428 : vector<16xi32>
    tpu.vector_store_idx %arg20[%get3A_399], %get3A_403 masked %eq3A_429 : memref<25008xi32, #tpu.memory_space<vmem>>[vector<16xi32>], vector<16xi32>, vector<16xi1>
    tpu.vector_store_idx %arg21[%get3A_401], %get3A_405 masked %eq3A_429 : memref<25008xi32, #tpu.memory_space<vmem>>[vector<16xi32>], vector<16xi32>, vector<16xi1>
    %eq3A_430 = arith.constant 8 : i32
    %eq3A_431 = vector.broadcast %eq3A_430 : i32 to vector<16xi32>
    %eq3A_432 = arith.cmpi eq, %iota3A, %eq3A_431 : vector<16xi32>
    tpu.vector_store_idx %arg20[%get3A_399], %get3A_403 masked %eq3A_432 : memref<25008xi32, #tpu.memory_space<vmem>>[vector<16xi32>], vector<16xi32>, vector<16xi1>
    tpu.vector_store_idx %arg21[%get3A_401], %get3A_405 masked %eq3A_432 : memref<25008xi32, #tpu.memory_space<vmem>>[vector<16xi32>], vector<16xi32>, vector<16xi1>
    %eq3A_433 = arith.constant 9 : i32
    %eq3A_434 = vector.broadcast %eq3A_433 : i32 to vector<16xi32>
    %eq3A_435 = arith.cmpi eq, %iota3A, %eq3A_434 : vector<16xi32>
    tpu.vector_store_idx %arg20[%get3A_399], %get3A_403 masked %eq3A_435 : memref<25008xi32, #tpu.memory_space<vmem>>[vector<16xi32>], vector<16xi32>, vector<16xi1>
    tpu.vector_store_idx %arg21[%get3A_401], %get3A_405 masked %eq3A_435 : memref<25008xi32, #tpu.memory_space<vmem>>[vector<16xi32>], vector<16xi32>, vector<16xi1>
    %eq3A_436 = arith.constant 10 : i32
    %eq3A_437 = vector.broadcast %eq3A_436 : i32 to vector<16xi32>
    %eq3A_438 = arith.cmpi eq, %iota3A, %eq3A_437 : vector<16xi32>
    tpu.vector_store_idx %arg20[%get3A_399], %get3A_403 masked %eq3A_438 : memref<25008xi32, #tpu.memory_space<vmem>>[vector<16xi32>], vector<16xi32>, vector<16xi1>
    tpu.vector_store_idx %arg21[%get3A_401], %get3A_405 masked %eq3A_438 : memref<25008xi32, #tpu.memory_space<vmem>>[vector<16xi32>], vector<16xi32>, vector<16xi1>
    %eq3A_439 = arith.constant 11 : i32
    %eq3A_440 = vector.broadcast %eq3A_439 : i32 to vector<16xi32>
    %eq3A_441 = arith.cmpi eq, %iota3A, %eq3A_440 : vector<16xi32>
    tpu.vector_store_idx %arg20[%get3A_399], %get3A_403 masked %eq3A_441 : memref<25008xi32, #tpu.memory_space<vmem>>[vector<16xi32>], vector<16xi32>, vector<16xi1>
    tpu.vector_store_idx %arg21[%get3A_401], %get3A_405 masked %eq3A_441 : memref<25008xi32, #tpu.memory_space<vmem>>[vector<16xi32>], vector<16xi32>, vector<16xi1>
    %eq3A_442 = arith.constant 12 : i32
    %eq3A_443 = vector.broadcast %eq3A_442 : i32 to vector<16xi32>
    %eq3A_444 = arith.cmpi eq, %iota3A, %eq3A_443 : vector<16xi32>
    tpu.vector_store_idx %arg20[%get3A_399], %get3A_403 masked %eq3A_444 : memref<25008xi32, #tpu.memory_space<vmem>>[vector<16xi32>], vector<16xi32>, vector<16xi1>
    tpu.vector_store_idx %arg21[%get3A_401], %get3A_405 masked %eq3A_444 : memref<25008xi32, #tpu.memory_space<vmem>>[vector<16xi32>], vector<16xi32>, vector<16xi1>
    %eq3A_445 = arith.constant 13 : i32
    %eq3A_446 = vector.broadcast %eq3A_445 : i32 to vector<16xi32>
    %eq3A_447 = arith.cmpi eq, %iota3A, %eq3A_446 : vector<16xi32>
    tpu.vector_store_idx %arg20[%get3A_399], %get3A_403 masked %eq3A_447 : memref<25008xi32, #tpu.memory_space<vmem>>[vector<16xi32>], vector<16xi32>, vector<16xi1>
    tpu.vector_store_idx %arg21[%get3A_401], %get3A_405 masked %eq3A_447 : memref<25008xi32, #tpu.memory_space<vmem>>[vector<16xi32>], vector<16xi32>, vector<16xi1>
    %eq3A_448 = arith.constant 14 : i32
    %eq3A_449 = vector.broadcast %eq3A_448 : i32 to vector<16xi32>
    %eq3A_450 = arith.cmpi eq, %iota3A, %eq3A_449 : vector<16xi32>
    tpu.vector_store_idx %arg20[%get3A_399], %get3A_403 masked %eq3A_450 : memref<25008xi32, #tpu.memory_space<vmem>>[vector<16xi32>], vector<16xi32>, vector<16xi1>
    tpu.vector_store_idx %arg21[%get3A_401], %get3A_405 masked %eq3A_450 : memref<25008xi32, #tpu.memory_space<vmem>>[vector<16xi32>], vector<16xi32>, vector<16xi1>
    %eq3A_451 = arith.constant 15 : i32
    %eq3A_452 = vector.broadcast %eq3A_451 : i32 to vector<16xi32>
    %eq3A_453 = arith.cmpi eq, %iota3A, %eq3A_452 : vector<16xi32>
    tpu.vector_store_idx %arg20[%get3A_399], %get3A_403 masked %eq3A_453 : memref<25008xi32, #tpu.memory_space<vmem>>[vector<16xi32>], vector<16xi32>, vector<16xi1>
    tpu.vector_store_idx %arg21[%get3A_401], %get3A_405 masked %eq3A_453 : memref<25008xi32, #tpu.memory_space<vmem>>[vector<16xi32>], vector<16xi32>, vector<16xi1>
    %broadcast_in_dim3A_454 = arith.constant 0.000000e+00 : f32
    %broadcast_in_dim3A_455 = vector.broadcast %broadcast_in_dim3A_454 : f32 to vector<16xf32>
    %scan3A_456 = arith.constant 0 : i32
    %scan3A_457 = arith.constant 0 : i32
    %scan3A_458 = arith.constant 1024 : i32
    %scan3A_459 = arith.addi %scan3A_457, %scan3A_458 : i32
    %scan3A_460 = arith.constant 1 : i32
    %scan3A_461 = scf.for %scan3A_475 = %scan3A_457 to %scan3A_459 step %scan3A_460 iter_args(%scan3A_476 = %scan3A_456) -> (i32)  : i32 {
      %mul3A_477 = arith.constant 16 : i32
      %mul3A_478 = arith.muli %scan3A_475, %mul3A_477 : i32
      %swap3A = arith.index_cast %mul3A_478 : i32 to index
      %swap3A_479 = tpu.vector_load %arg25[%swap3A] {strides = array<i32>} : memref<16384xf32, #tpu.memory_space<vmem>>, vector<16xf32>,
      tpu.vector_store %arg25[%swap3A], %broadcast_in_dim3A_455 {strides = array<i32>} : memref<16384xf32, #tpu.memory_space<vmem>>, vector<16xf32>,
      %scan3A_480 = arith.constant 0 : i32
      scf.yield %scan3A_480 : i32
    }
    %scan3A_462 = arith.constant 1024 : i32
    %mul3A_463 = arith.constant 25008 : i32
    %mul3A_464 = arith.muli %add3A, %mul3A_463 : i32
    %scan3A_465 = arith.constant 0 : i32
    %scan3A_466 = arith.constant 0 : i32
    %scan3A_467 = arith.constant 3 : i32
    %scan3A_468 = arith.addi %scan3A_466, %scan3A_467 : i32
    %scan3A_469 = arith.constant 1 : i32
    %scan3A_470 = scf.for %scan3A_475 = %scan3A_466 to %scan3A_468 step %scan3A_469 iter_args(%scan3A_476 = %scan3A_465) -> (i32)  : i32 {
      %mul3A_477 = arith.constant 8336 : i32
      %mul3A_478 = arith.muli %scan3A_475, %mul3A_477 : i32
      %add3A_479 = arith.addi %mul3A_464, %mul3A_478 : i32
      "tpu.region"() ({
        %run_scoped3A = tpu.sem_alloc : memref<!tpu.dma_semaphore, #tpu.memory_space<semaphore_mem>>
        %dma_start3A = tpu.memref_slice %arg2[%add3A_479] : memref<800256xi32, #tpu.memory_space<hbm>> -> memref<8336xi32, #tpu.memory_space<hbm>>
        %dma_start3A_488 = tpu.memref_slice %arg2[%add3A_479] : memref<800256xi32, #tpu.memory_space<hbm>> -> memref<8336xi32, #tpu.memory_space<hbm>>
        tpu.enqueue_dma source(%dma_start3A_488 : memref<8336xi32, #tpu.memory_space<hbm>>) target(%arg22 : memref<8336xi32, #tpu.memory_space<vmem>>) target_semaphore(%run_scoped3A : memref<!tpu.dma_semaphore, #tpu.memory_space<semaphore_mem>>)
        %dma_wait3A = tpu.memref_slice %arg2[%add3A_479] : memref<800256xi32, #tpu.memory_space<hbm>> -> memref<8336xi32, #tpu.memory_space<hbm>>
        %dma_wait3A_489 = tpu.memref_slice %arg2[%add3A_479] : memref<800256xi32, #tpu.memory_space<hbm>> -> memref<8336xi32, #tpu.memory_space<hbm>>
        tpu.wait_dma2 semaphore(%run_scoped3A : memref<!tpu.dma_semaphore, #tpu.memory_space<semaphore_mem>>) src(%dma_wait3A_489 : memref<8336xi32, #tpu.memory_space<hbm>>) dst(%arg22 : memref<8336xi32, #tpu.memory_space<vmem>>)
        tpu.yield
      }) : () -> ()
      "tpu.region"() ({
        %run_scoped3A = tpu.sem_alloc : memref<!tpu.dma_semaphore, #tpu.memory_space<semaphore_mem>>
        %dma_start3A = tpu.memref_slice %arg3[%add3A_479] : memref<800256xi32, #tpu.memory_space<hbm>> -> memref<8336xi32, #tpu.memory_space<hbm>>
        %dma_start3A_488 = tpu.memref_slice %arg3[%add3A_479] : memref<800256xi32, #tpu.memory_space<hbm>> -> memref<8336xi32, #tpu.memory_space<hbm>>
        tpu.enqueue_dma source(%dma_start3A_488 : memref<8336xi32, #tpu.memory_space<hbm>>) target(%arg23 : memref<8336xi32, #tpu.memory_space<vmem>>) target_semaphore(%run_scoped3A : memref<!tpu.dma_semaphore, #tpu.memory_space<semaphore_mem>>)
        %dma_wait3A = tpu.memref_slice %arg3[%add3A_479] : memref<800256xi32, #tpu.memory_space<hbm>> -> memref<8336xi32, #tpu.memory_space<hbm>>
        %dma_wait3A_489 = tpu.memref_slice %arg3[%add3A_479] : memref<800256xi32, #tpu.memory_space<hbm>> -> memref<8336xi32, #tpu.memory_space<hbm>>
        tpu.wait_dma2 semaphore(%run_scoped3A : memref<!tpu.dma_semaphore, #tpu.memory_space<semaphore_mem>>) src(%dma_wait3A_489 : memref<8336xi32, #tpu.memory_space<hbm>>) dst(%arg23 : memref<8336xi32, #tpu.memory_space<vmem>>)
        tpu.yield
      }) : () -> ()
      "tpu.region"() ({
        %run_scoped3A = tpu.sem_alloc : memref<!tpu.dma_semaphore, #tpu.memory_space<semaphore_mem>>
        %dma_start3A = tpu.memref_slice %arg4[%add3A_479] : memref<800256xf32, #tpu.memory_space<hbm>> -> memref<8336xf32, #tpu.memory_space<hbm>>
        %dma_start3A_488 = tpu.memref_slice %arg4[%add3A_479] : memref<800256xf32, #tpu.memory_space<hbm>> -> memref<8336xf32, #tpu.memory_space<hbm>>
        tpu.enqueue_dma source(%dma_start3A_488 : memref<8336xf32, #tpu.memory_space<hbm>>) target(%arg24 : memref<8336xf32, #tpu.memory_space<vmem>>) target_semaphore(%run_scoped3A : memref<!tpu.dma_semaphore, #tpu.memory_space<semaphore_mem>>)
        %dma_wait3A = tpu.memref_slice %arg4[%add3A_479] : memref<800256xf32, #tpu.memory_space<hbm>> -> memref<8336xf32, #tpu.memory_space<hbm>>
        %dma_wait3A_489 = tpu.memref_slice %arg4[%add3A_479] : memref<800256xf32, #tpu.memory_space<hbm>> -> memref<8336xf32, #tpu.memory_space<hbm>>
        tpu.wait_dma2 semaphore(%run_scoped3A : memref<!tpu.dma_semaphore, #tpu.memory_space<semaphore_mem>>) src(%dma_wait3A_489 : memref<8336xf32, #tpu.memory_space<hbm>>) dst(%arg24 : memref<8336xf32, #tpu.memory_space<vmem>>)
        tpu.yield
      }) : () -> ()
      %scan3A_480 = arith.constant 0 : i32
      %scan3A_481 = arith.constant 0 : i32
      %scan3A_482 = arith.constant 521 : i32
      %scan3A_483 = arith.addi %scan3A_481, %scan3A_482 : i32
      %scan3A_484 = arith.constant 1 : i32
      %scan3A_485 = scf.for %scan3A_488 = %scan3A_481 to %scan3A_483 step %scan3A_484 iter_args(%scan3A_489 = %scan3A_480) -> (i32)  : i32 {
        %mul3A_490 = arith.constant 16 : i32
        %mul3A_491 = arith.muli %scan3A_488, %mul3A_490 : i32
        %get3A_492 = arith.index_cast %mul3A_491 : i32 to index
        %get3A_493 = tpu.vector_load %arg22[%get3A_492] {strides = array<i32>} : memref<8336xi32, #tpu.memory_space<vmem>>, vector<16xi32>,
        %mul3A_494 = arith.constant 16 : i32
        %mul3A_495 = arith.muli %scan3A_488, %mul3A_494 : i32
        %get3A_496 = arith.index_cast %mul3A_495 : i32 to index
        %get3A_497 = tpu.vector_load %arg23[%get3A_496] {strides = array<i32>} : memref<8336xi32, #tpu.memory_space<vmem>>, vector<16xi32>,
        %sub3A = arith.constant 25000 : i32
        %sub3A_498 = vector.broadcast %sub3A : i32 to vector<16xi32>
        %sub3A_499 = arith.subi %get3A_497, %sub3A_498 : vector<16xi32>
        %mul3A_500 = arith.constant 16 : i32
        %mul3A_501 = arith.muli %scan3A_488, %mul3A_500 : i32
        %get3A_502 = arith.index_cast %mul3A_501 : i32 to index
        %get3A_503 = tpu.vector_load %arg24[%get3A_502] {strides = array<i32>} : memref<8336xf32, #tpu.memory_space<vmem>>, vector<16xf32>,
        %gather3A = tpu.vector_load_idx %arg20[%get3A_493] : memref<25008xi32, #tpu.memory_space<vmem>>[vector<16xi32>], vector<16xi32>,
        %gather3A_504 = tpu.vector_load_idx %arg21[%sub3A_499] : memref<25008xi32, #tpu.memory_space<vmem>>[vector<16xi32>], vector<16xi32>,
        %ge3A = arith.constant 0 : i32
        %ge3A_505 = vector.broadcast %ge3A : i32 to vector<16xi32>
        %ge3A_506 = arith.cmpi sge, %gather3A, %ge3A_505 : vector<16xi32>
        %ge3A_507 = arith.constant 0 : i32
        %ge3A_508 = vector.broadcast %ge3A_507 : i32 to vector<16xi32>
        %ge3A_509 = arith.cmpi sge, %gather3A_504, %ge3A_508 : vector<16xi32>
        %and3A = arith.andi %ge3A_506, %ge3A_509 : vector<16xi1>
        %convert_element_type3A_510 = arith.extui %and3A : vector<16xi1> to vector<16xi32>
        %reduce_sum3A = arith.constant true
        %reduce_sum3A_511 = vector.broadcast %reduce_sum3A : i1 to vector<16xi1>
        %reduce_sum3A_512 = tpu.scan <sum>, %convert_element_type3A_510 masked %reduce_sum3A_511 : vector<16xi32>, vector<16xi1> -> vector<16xi32>
        %reduce_sum3A_513 = vector.extract %reduce_sum3A_512[15] : i32 from vector<16xi32>
        %gt3A = arith.constant 0 : i32
        %gt3A_514 = arith.cmpi sgt, %reduce_sum3A_513, %gt3A : i32
        %convert_element_type3A_515 = arith.extui %gt3A_514 : i1 to i32
        %cond3A_516 = arith.constant 0 : i32
        %cond3A_517 = arith.cmpi ne, %convert_element_type3A_515, %cond3A_516 : i32
        scf.if %cond3A_517 {
          %mul3A_519 = arith.constant 128 : i32
          %mul3A_520 = vector.broadcast %mul3A_519 : i32 to vector<16xi32>
          %mul3A_521 = arith.muli %gather3A_504, %mul3A_520 : vector<16xi32>
          %add3A_522 = arith.addi %mul3A_521, %gather3A : vector<16xi32>
          %eq3A_523 = arith.constant 0 : i32
          %eq3A_524 = vector.broadcast %eq3A_523 : i32 to vector<16xi32>
          %eq3A_525 = arith.cmpi eq, %iota3A, %eq3A_524 : vector<16xi32>
          %and3A_526 = arith.andi %and3A, %eq3A_525 : vector<16xi1>
          tpu.vector_store_idx %arg25[%add3A_522], %get3A_503 masked %and3A_526 {add = true} : memref<16384xf32, #tpu.memory_space<vmem>>[vector<16xi32>], vector<16xf32>, vector<16xi1>
          %eq3A_527 = arith.constant 1 : i32
          %eq3A_528 = vector.broadcast %eq3A_527 : i32 to vector<16xi32>
          %eq3A_529 = arith.cmpi eq, %iota3A, %eq3A_528 : vector<16xi32>
          %and3A_530 = arith.andi %and3A, %eq3A_529 : vector<16xi1>
          tpu.vector_store_idx %arg25[%add3A_522], %get3A_503 masked %and3A_530 {add = true} : memref<16384xf32, #tpu.memory_space<vmem>>[vector<16xi32>], vector<16xf32>, vector<16xi1>
          %eq3A_531 = arith.constant 2 : i32
          %eq3A_532 = vector.broadcast %eq3A_531 : i32 to vector<16xi32>
          %eq3A_533 = arith.cmpi eq, %iota3A, %eq3A_532 : vector<16xi32>
          %and3A_534 = arith.andi %and3A, %eq3A_533 : vector<16xi1>
          tpu.vector_store_idx %arg25[%add3A_522], %get3A_503 masked %and3A_534 {add = true} : memref<16384xf32, #tpu.memory_space<vmem>>[vector<16xi32>], vector<16xf32>, vector<16xi1>
          %eq3A_535 = arith.constant 3 : i32
          %eq3A_536 = vector.broadcast %eq3A_535 : i32 to vector<16xi32>
          %eq3A_537 = arith.cmpi eq, %iota3A, %eq3A_536 : vector<16xi32>
          %and3A_538 = arith.andi %and3A, %eq3A_537 : vector<16xi1>
          tpu.vector_store_idx %arg25[%add3A_522], %get3A_503 masked %and3A_538 {add = true} : memref<16384xf32, #tpu.memory_space<vmem>>[vector<16xi32>], vector<16xf32>, vector<16xi1>
          %eq3A_539 = arith.constant 4 : i32
          %eq3A_540 = vector.broadcast %eq3A_539 : i32 to vector<16xi32>
          %eq3A_541 = arith.cmpi eq, %iota3A, %eq3A_540 : vector<16xi32>
          %and3A_542 = arith.andi %and3A, %eq3A_541 : vector<16xi1>
          tpu.vector_store_idx %arg25[%add3A_522], %get3A_503 masked %and3A_542 {add = true} : memref<16384xf32, #tpu.memory_space<vmem>>[vector<16xi32>], vector<16xf32>, vector<16xi1>
          %eq3A_543 = arith.constant 5 : i32
          %eq3A_544 = vector.broadcast %eq3A_543 : i32 to vector<16xi32>
          %eq3A_545 = arith.cmpi eq, %iota3A, %eq3A_544 : vector<16xi32>
          %and3A_546 = arith.andi %and3A, %eq3A_545 : vector<16xi1>
          tpu.vector_store_idx %arg25[%add3A_522], %get3A_503 masked %and3A_546 {add = true} : memref<16384xf32, #tpu.memory_space<vmem>>[vector<16xi32>], vector<16xf32>, vector<16xi1>
          %eq3A_547 = arith.constant 6 : i32
          %eq3A_548 = vector.broadcast %eq3A_547 : i32 to vector<16xi32>
          %eq3A_549 = arith.cmpi eq, %iota3A, %eq3A_548 : vector<16xi32>
          %and3A_550 = arith.andi %and3A, %eq3A_549 : vector<16xi1>
          tpu.vector_store_idx %arg25[%add3A_522], %get3A_503 masked %and3A_550 {add = true} : memref<16384xf32, #tpu.memory_space<vmem>>[vector<16xi32>], vector<16xf32>, vector<16xi1>
          %eq3A_551 = arith.constant 7 : i32
          %eq3A_552 = vector.broadcast %eq3A_551 : i32 to vector<16xi32>
          %eq3A_553 = arith.cmpi eq, %iota3A, %eq3A_552 : vector<16xi32>
          %and3A_554 = arith.andi %and3A, %eq3A_553 : vector<16xi1>
          tpu.vector_store_idx %arg25[%add3A_522], %get3A_503 masked %and3A_554 {add = true} : memref<16384xf32, #tpu.memory_space<vmem>>[vector<16xi32>], vector<16xf32>, vector<16xi1>
          %eq3A_555 = arith.constant 8 : i32
          %eq3A_556 = vector.broadcast %eq3A_555 : i32 to vector<16xi32>
          %eq3A_557 = arith.cmpi eq, %iota3A, %eq3A_556 : vector<16xi32>
          %and3A_558 = arith.andi %and3A, %eq3A_557 : vector<16xi1>
          tpu.vector_store_idx %arg25[%add3A_522], %get3A_503 masked %and3A_558 {add = true} : memref<16384xf32, #tpu.memory_space<vmem>>[vector<16xi32>], vector<16xf32>, vector<16xi1>
          %eq3A_559 = arith.constant 9 : i32
          %eq3A_560 = vector.broadcast %eq3A_559 : i32 to vector<16xi32>
          %eq3A_561 = arith.cmpi eq, %iota3A, %eq3A_560 : vector<16xi32>
          %and3A_562 = arith.andi %and3A, %eq3A_561 : vector<16xi1>
          tpu.vector_store_idx %arg25[%add3A_522], %get3A_503 masked %and3A_562 {add = true} : memref<16384xf32, #tpu.memory_space<vmem>>[vector<16xi32>], vector<16xf32>, vector<16xi1>
          %eq3A_563 = arith.constant 10 : i32
          %eq3A_564 = vector.broadcast %eq3A_563 : i32 to vector<16xi32>
          %eq3A_565 = arith.cmpi eq, %iota3A, %eq3A_564 : vector<16xi32>
          %and3A_566 = arith.andi %and3A, %eq3A_565 : vector<16xi1>
          tpu.vector_store_idx %arg25[%add3A_522], %get3A_503 masked %and3A_566 {add = true} : memref<16384xf32, #tpu.memory_space<vmem>>[vector<16xi32>], vector<16xf32>, vector<16xi1>
          %eq3A_567 = arith.constant 11 : i32
          %eq3A_568 = vector.broadcast %eq3A_567 : i32 to vector<16xi32>
          %eq3A_569 = arith.cmpi eq, %iota3A, %eq3A_568 : vector<16xi32>
          %and3A_570 = arith.andi %and3A, %eq3A_569 : vector<16xi1>
          tpu.vector_store_idx %arg25[%add3A_522], %get3A_503 masked %and3A_570 {add = true} : memref<16384xf32, #tpu.memory_space<vmem>>[vector<16xi32>], vector<16xf32>, vector<16xi1>
          %eq3A_571 = arith.constant 12 : i32
          %eq3A_572 = vector.broadcast %eq3A_571 : i32 to vector<16xi32>
          %eq3A_573 = arith.cmpi eq, %iota3A, %eq3A_572 : vector<16xi32>
          %and3A_574 = arith.andi %and3A, %eq3A_573 : vector<16xi1>
          tpu.vector_store_idx %arg25[%add3A_522], %get3A_503 masked %and3A_574 {add = true} : memref<16384xf32, #tpu.memory_space<vmem>>[vector<16xi32>], vector<16xf32>, vector<16xi1>
          %eq3A_575 = arith.constant 13 : i32
          %eq3A_576 = vector.broadcast %eq3A_575 : i32 to vector<16xi32>
          %eq3A_577 = arith.cmpi eq, %iota3A, %eq3A_576 : vector<16xi32>
          %and3A_578 = arith.andi %and3A, %eq3A_577 : vector<16xi1>
          tpu.vector_store_idx %arg25[%add3A_522], %get3A_503 masked %and3A_578 {add = true} : memref<16384xf32, #tpu.memory_space<vmem>>[vector<16xi32>], vector<16xf32>, vector<16xi1>
          %eq3A_579 = arith.constant 14 : i32
          %eq3A_580 = vector.broadcast %eq3A_579 : i32 to vector<16xi32>
          %eq3A_581 = arith.cmpi eq, %iota3A, %eq3A_580 : vector<16xi32>
          %and3A_582 = arith.andi %and3A, %eq3A_581 : vector<16xi1>
          tpu.vector_store_idx %arg25[%add3A_522], %get3A_503 masked %and3A_582 {add = true} : memref<16384xf32, #tpu.memory_space<vmem>>[vector<16xi32>], vector<16xf32>, vector<16xi1>
          %eq3A_583 = arith.constant 15 : i32
          %eq3A_584 = vector.broadcast %eq3A_583 : i32 to vector<16xi32>
          %eq3A_585 = arith.cmpi eq, %iota3A, %eq3A_584 : vector<16xi32>
          %and3A_586 = arith.andi %and3A, %eq3A_585 : vector<16xi1>
          tpu.vector_store_idx %arg25[%add3A_522], %get3A_503 masked %and3A_586 {add = true} : memref<16384xf32, #tpu.memory_space<vmem>>[vector<16xi32>], vector<16xf32>, vector<16xi1>
        } else {
        }
        %scan3A_518 = arith.constant 0 : i32
        scf.yield %scan3A_518 : i32
      }
      %scan3A_486 = arith.constant 521 : i32
      %scan3A_487 = arith.constant 0 : i32
      scf.yield %scan3A_487 : i32
    }
    %scan3A_471 = arith.constant 3 : i32
    "tpu.region"() ({
      %run_scoped3A = tpu.sem_alloc : memref<!tpu.dma_semaphore, #tpu.memory_space<semaphore_mem>>
      %dma_start3A = arith.constant 0 : i32
      %dma_start3A_475 = tpu.memref_slice %arg15[%add3A, %dma_start3A] : memref<32x16384xf32, #tpu.memory_space<hbm>> -> memref<1x16384xf32, #tpu.memory_space<hbm>>
      %dma_start3A_476 = tpu.memref_squeeze %dma_start3A_475 : memref<1x16384xf32, #tpu.memory_space<hbm>> -> memref<16384xf32, #tpu.memory_space<hbm>>
      %dma_start3A_477 = arith.constant 0 : i32
      %dma_start3A_478 = tpu.memref_slice %arg15[%add3A, %dma_start3A_477] : memref<32x16384xf32, #tpu.memory_space<hbm>> -> memref<1x16384xf32, #tpu.memory_space<hbm>>
      %dma_start3A_479 = tpu.memref_squeeze %dma_start3A_478 : memref<1x16384xf32, #tpu.memory_space<hbm>> -> memref<16384xf32, #tpu.memory_space<hbm>>
      tpu.enqueue_dma source(%arg25 : memref<16384xf32, #tpu.memory_space<vmem>>) target(%dma_start3A_479 : memref<16384xf32, #tpu.memory_space<hbm>>) target_semaphore(%run_scoped3A : memref<!tpu.dma_semaphore, #tpu.memory_space<semaphore_mem>>)
      %dma_wait3A = arith.constant 0 : i32
      %dma_wait3A_480 = tpu.memref_slice %arg15[%add3A, %dma_wait3A] : memref<32x16384xf32, #tpu.memory_space<hbm>> -> memref<1x16384xf32, #tpu.memory_space<hbm>>
      %dma_wait3A_481 = tpu.memref_squeeze %dma_wait3A_480 : memref<1x16384xf32, #tpu.memory_space<hbm>> -> memref<16384xf32, #tpu.memory_space<hbm>>
      %dma_wait3A_482 = arith.constant 0 : i32
      %dma_wait3A_483 = tpu.memref_slice %arg15[%add3A, %dma_wait3A_482] : memref<32x16384xf32, #tpu.memory_space<hbm>> -> memref<1x16384xf32, #tpu.memory_space<hbm>>
      %dma_wait3A_484 = tpu.memref_squeeze %dma_wait3A_483 : memref<1x16384xf32, #tpu.memory_space<hbm>> -> memref<16384xf32, #tpu.memory_space<hbm>>
      tpu.wait_dma2 semaphore(%run_scoped3A : memref<!tpu.dma_semaphore, #tpu.memory_space<semaphore_mem>>) src(%arg25 : memref<16384xf32, #tpu.memory_space<vmem>>) dst(%dma_wait3A_484 : memref<16384xf32, #tpu.memory_space<hbm>>)
      tpu.yield
    }) : () -> ()
    %eq3A_472 = arith.constant 0 : i32
    %eq3A_473 = arith.cmpi eq, %add3A, %eq3A_472 : i32
    %convert_element_type3A = arith.extui %eq3A_473 : i1 to i32
    %cond3A = arith.constant 0 : i32
    %cond3A_474 = arith.cmpi ne, %convert_element_type3A, %cond3A : i32
    scf.if %cond3A_474 {
      %dma_start3A = arith.constant 0 : i32
      %dma_start3A_475 = arith.constant 0 : i32
      %dma_start3A_476 = tpu.memref_slice %arg9[%dma_start3A, %dma_start3A_475] : memref<25000x64xf32, #tpu.memory_space<hbm>> -> memref<25000x64xf32, #tpu.memory_space<hbm>>
      tpu.enqueue_indirect_dma source(%dma_start3A_476 : memref<25000x64xf32, #tpu.memory_space<hbm>>) target(%arg31 : memref<128x64xf32, #tpu.memory_space<vmem>>) offsets(%arg26 : memref<128xi32, #tpu.memory_space<vmem>>) semaphore(%arg32 : memref<!tpu.dma_semaphore, #tpu.memory_space<semaphore_mem>>)
      %dma_wait3A = arith.constant 0 : i32
      %dma_wait3A_477 = arith.constant 0 : i32
      %dma_wait3A_478 = tpu.memref_slice %arg9[%dma_wait3A, %dma_wait3A_477] : memref<25000x64xf32, #tpu.memory_space<hbm>> -> memref<25000x64xf32, #tpu.memory_space<hbm>>
      tpu.wait_indirect_dma semaphore(%arg32 : memref<!tpu.dma_semaphore, #tpu.memory_space<semaphore_mem>>) src(%dma_wait3A_478 : memref<25000x64xf32, #tpu.memory_space<hbm>>) dst(%arg31 : memref<128x64xf32, #tpu.memory_space<vmem>>)
      "tpu.region"() ({
        %run_scoped3A = tpu.sem_alloc : memref<!tpu.dma_semaphore, #tpu.memory_space<semaphore_mem>>
        tpu.enqueue_dma source(%arg31 : memref<128x64xf32, #tpu.memory_space<vmem>>) target(%arg16 : memref<128x64xf32, #tpu.memory_space<hbm>>) target_semaphore(%run_scoped3A : memref<!tpu.dma_semaphore, #tpu.memory_space<semaphore_mem>>)
        tpu.wait_dma2 semaphore(%run_scoped3A : memref<!tpu.dma_semaphore, #tpu.memory_space<semaphore_mem>>) src(%arg31 : memref<128x64xf32, #tpu.memory_space<vmem>>) dst(%arg16 : memref<128x64xf32, #tpu.memory_space<hbm>>)
        tpu.yield
      }) : () -> ()
      %dma_start3A_479 = arith.constant 0 : i32
      %dma_start3A_480 = arith.constant 0 : i32
      %dma_start3A_481 = tpu.memref_slice %arg10[%dma_start3A_479, %dma_start3A_480] : memref<25000x64xf32, #tpu.memory_space<hbm>> -> memref<25000x64xf32, #tpu.memory_space<hbm>>
      tpu.enqueue_indirect_dma source(%dma_start3A_481 : memref<25000x64xf32, #tpu.memory_space<hbm>>) target(%arg31 : memref<128x64xf32, #tpu.memory_space<vmem>>) offsets(%arg27 : memref<128xi32, #tpu.memory_space<vmem>>) semaphore(%arg32 : memref<!tpu.dma_semaphore, #tpu.memory_space<semaphore_mem>>)
      %dma_wait3A_482 = arith.constant 0 : i32
      %dma_wait3A_483 = arith.constant 0 : i32
      %dma_wait3A_484 = tpu.memref_slice %arg10[%dma_wait3A_482, %dma_wait3A_483] : memref<25000x64xf32, #tpu.memory_space<hbm>> -> memref<25000x64xf32, #tpu.memory_space<hbm>>
      tpu.wait_indirect_dma semaphore(%arg32 : memref<!tpu.dma_semaphore, #tpu.memory_space<semaphore_mem>>) src(%dma_wait3A_484 : memref<25000x64xf32, #tpu.memory_space<hbm>>) dst(%arg31 : memref<128x64xf32, #tpu.memory_space<vmem>>)
      "tpu.region"() ({
        %run_scoped3A = tpu.sem_alloc : memref<!tpu.dma_semaphore, #tpu.memory_space<semaphore_mem>>
        tpu.enqueue_dma source(%arg31 : memref<128x64xf32, #tpu.memory_space<vmem>>) target(%arg17 : memref<128x64xf32, #tpu.memory_space<hbm>>) target_semaphore(%run_scoped3A : memref<!tpu.dma_semaphore, #tpu.memory_space<semaphore_mem>>)
        tpu.wait_dma2 semaphore(%run_scoped3A : memref<!tpu.dma_semaphore, #tpu.memory_space<semaphore_mem>>) src(%arg31 : memref<128x64xf32, #tpu.memory_space<vmem>>) dst(%arg17 : memref<128x64xf32, #tpu.memory_space<hbm>>)
        tpu.yield
      }) : () -> ()
      %dma_start3A_485 = arith.constant 0 : i32
      %dma_start3A_486 = tpu.memref_slice %arg11[%dma_start3A_485] : memref<25000xi32, #tpu.memory_space<hbm>> -> memref<25000xi32, #tpu.memory_space<hbm>>
      tpu.enqueue_indirect_dma source(%dma_start3A_486 : memref<25000xi32, #tpu.memory_space<hbm>>) target(%arg30 : memref<128xi32, #tpu.memory_space<vmem>>) offsets(%arg27 : memref<128xi32, #tpu.memory_space<vmem>>) semaphore(%arg32 : memref<!tpu.dma_semaphore, #tpu.memory_space<semaphore_mem>>)
      %dma_wait3A_487 = arith.constant 0 : i32
      %dma_wait3A_488 = tpu.memref_slice %arg11[%dma_wait3A_487] : memref<25000xi32, #tpu.memory_space<hbm>> -> memref<25000xi32, #tpu.memory_space<hbm>>
      tpu.wait_indirect_dma semaphore(%arg32 : memref<!tpu.dma_semaphore, #tpu.memory_space<semaphore_mem>>) src(%dma_wait3A_488 : memref<25000xi32, #tpu.memory_space<hbm>>) dst(%arg30 : memref<128xi32, #tpu.memory_space<vmem>>)
      %dma_start3A_489 = arith.constant 0 : i32
      %dma_start3A_490 = arith.constant 0 : i32
      %dma_start3A_491 = tpu.memref_slice %arg13[%dma_start3A_489, %dma_start3A_490] : memref<5000x64xf32, #tpu.memory_space<hbm>> -> memref<5000x64xf32, #tpu.memory_space<hbm>>
      tpu.enqueue_indirect_dma source(%dma_start3A_491 : memref<5000x64xf32, #tpu.memory_space<hbm>>) target(%arg31 : memref<128x64xf32, #tpu.memory_space<vmem>>) offsets(%arg30 : memref<128xi32, #tpu.memory_space<vmem>>) semaphore(%arg32 : memref<!tpu.dma_semaphore, #tpu.memory_space<semaphore_mem>>)
      %dma_wait3A_492 = arith.constant 0 : i32
      %dma_wait3A_493 = arith.constant 0 : i32
      %dma_wait3A_494 = tpu.memref_slice %arg13[%dma_wait3A_492, %dma_wait3A_493] : memref<5000x64xf32, #tpu.memory_space<hbm>> -> memref<5000x64xf32, #tpu.memory_space<hbm>>
      tpu.wait_indirect_dma semaphore(%arg32 : memref<!tpu.dma_semaphore, #tpu.memory_space<semaphore_mem>>) src(%dma_wait3A_494 : memref<5000x64xf32, #tpu.memory_space<hbm>>) dst(%arg31 : memref<128x64xf32, #tpu.memory_space<vmem>>)
      "tpu.region"() ({
        %run_scoped3A = tpu.sem_alloc : memref<!tpu.dma_semaphore, #tpu.memory_space<semaphore_mem>>
        tpu.enqueue_dma source(%arg31 : memref<128x64xf32, #tpu.memory_space<vmem>>) target(%arg18 : memref<128x64xf32, #tpu.memory_space<hbm>>) target_semaphore(%run_scoped3A : memref<!tpu.dma_semaphore, #tpu.memory_space<semaphore_mem>>)
        tpu.wait_dma2 semaphore(%run_scoped3A : memref<!tpu.dma_semaphore, #tpu.memory_space<semaphore_mem>>) src(%arg31 : memref<128x64xf32, #tpu.memory_space<vmem>>) dst(%arg18 : memref<128x64xf32, #tpu.memory_space<hbm>>)
        tpu.yield
      }) : () -> ()
      %dma_start3A_495 = arith.constant 0 : i32
      %dma_start3A_496 = tpu.memref_slice %arg12[%dma_start3A_495] : memref<25000xi32, #tpu.memory_space<hbm>> -> memref<25000xi32, #tpu.memory_space<hbm>>
      tpu.enqueue_indirect_dma source(%dma_start3A_496 : memref<25000xi32, #tpu.memory_space<hbm>>) target(%arg30 : memref<128xi32, #tpu.memory_space<vmem>>) offsets(%arg27 : memref<128xi32, #tpu.memory_space<vmem>>) semaphore(%arg32 : memref<!tpu.dma_semaphore, #tpu.memory_space<semaphore_mem>>)
      %dma_wait3A_497 = arith.constant 0 : i32
      %dma_wait3A_498 = tpu.memref_slice %arg12[%dma_wait3A_497] : memref<25000xi32, #tpu.memory_space<hbm>> -> memref<25000xi32, #tpu.memory_space<hbm>>
      tpu.wait_indirect_dma semaphore(%arg32 : memref<!tpu.dma_semaphore, #tpu.memory_space<semaphore_mem>>) src(%dma_wait3A_498 : memref<25000xi32, #tpu.memory_space<hbm>>) dst(%arg30 : memref<128xi32, #tpu.memory_space<vmem>>)
      %dma_start3A_499 = arith.constant 0 : i32
      %dma_start3A_500 = arith.constant 0 : i32
      %dma_start3A_501 = tpu.memref_slice %arg14[%dma_start3A_499, %dma_start3A_500] : memref<10000x64xf32, #tpu.memory_space<hbm>> -> memref<10000x64xf32, #tpu.memory_space<hbm>>
      tpu.enqueue_indirect_dma source(%dma_start3A_501 : memref<10000x64xf32, #tpu.memory_space<hbm>>) target(%arg31 : memref<128x64xf32, #tpu.memory_space<vmem>>) offsets(%arg30 : memref<128xi32, #tpu.memory_space<vmem>>) semaphore(%arg32 : memref<!tpu.dma_semaphore, #tpu.memory_space<semaphore_mem>>)
      %dma_wait3A_502 = arith.constant 0 : i32
      %dma_wait3A_503 = arith.constant 0 : i32
      %dma_wait3A_504 = tpu.memref_slice %arg14[%dma_wait3A_502, %dma_wait3A_503] : memref<10000x64xf32, #tpu.memory_space<hbm>> -> memref<10000x64xf32, #tpu.memory_space<hbm>>
      tpu.wait_indirect_dma semaphore(%arg32 : memref<!tpu.dma_semaphore, #tpu.memory_space<semaphore_mem>>) src(%dma_wait3A_504 : memref<10000x64xf32, #tpu.memory_space<hbm>>) dst(%arg31 : memref<128x64xf32, #tpu.memory_space<vmem>>)
      "tpu.region"() ({
        %run_scoped3A = tpu.sem_alloc : memref<!tpu.dma_semaphore, #tpu.memory_space<semaphore_mem>>
        tpu.enqueue_dma source(%arg31 : memref<128x64xf32, #tpu.memory_space<vmem>>) target(%arg19 : memref<128x64xf32, #tpu.memory_space<hbm>>) target_semaphore(%run_scoped3A : memref<!tpu.dma_semaphore, #tpu.memory_space<semaphore_mem>>)
        tpu.wait_dma2 semaphore(%run_scoped3A : memref<!tpu.dma_semaphore, #tpu.memory_space<semaphore_mem>>) src(%arg31 : memref<128x64xf32, #tpu.memory_space<vmem>>) dst(%arg19 : memref<128x64xf32, #tpu.memory_space<hbm>>)
        tpu.yield
      }) : () -> ()
    } else {
    }
    return
  }
}

module attributes {stable_mosaic.version = 14 : i64} {
  func.func @_mlp_body(%arg0: i32, %arg1: memref<8336x5xf32, #tpu.memory_space<vmem>>, %arg2: memref<5x32xf32, #tpu.memory_space<vmem>>, %arg3: memref<1x32xf32, #tpu.memory_space<vmem>>, %arg4: memref<32x1xf32, #tpu.memory_space<vmem>>, %arg5: memref<1x1xf32, #tpu.memory_space<vmem>>, %arg6: memref<8336x1xf32, #tpu.memory_space<vmem>>) attributes {dimension_semantics = [#tpu.dimension_semantics<arbitrary>], iteration_bounds = array<i64: 96>, scalar_prefetch = 0 : i64, scratch_operands = 0 : i64, tpu.core_type = #tpu.core_type<tc>, window_params = [{transform_indices = @transform_0, window_bounds = array<i64: 8336, 5>}, {pipeline_mode = #tpu.pipeline_mode<synchronous>, transform_indices = @transform_1, window_bounds = array<i64: 5, 32>}, {pipeline_mode = #tpu.pipeline_mode<synchronous>, transform_indices = @transform_2, window_bounds = array<i64: 1, 32>}, {pipeline_mode = #tpu.pipeline_mode<synchronous>, transform_indices = @transform_3, window_bounds = array<i64: 32, 1>}, {pipeline_mode = #tpu.pipeline_mode<synchronous>, transform_indices = @transform_4, window_bounds = array<i64: 1, 1>}, {transform_indices = @transform_5, window_bounds = array<i64: 8336, 1>}]} {
    %get3A = arith.constant 0 : index
    %get3A_0 = arith.constant 0 : index
    %get3A_1 = vector.load %arg1[%get3A, %get3A_0] : memref<8336x5xf32, #tpu.memory_space<vmem>>, vector<8336x5xf32>
    %get3A_2 = arith.constant 0 : index
    %get3A_3 = arith.constant 0 : index
    %get3A_4 = vector.load %arg2[%get3A_2, %get3A_3] : memref<5x32xf32, #tpu.memory_space<vmem>>, vector<5x32xf32>
    %dot_general3A = arith.constant dense<0.000000e+00> : vector<8336x32xf32>
    %dot_general3A_5 = tpu.matmul %get3A_1, %get3A_4, %dot_general3A {dimension_numbers = #tpu.dot_dimension_numbers<[1], [0], [0], [1], [0, 0, 1, 1], [], []>, transpose_lhs_hint = false} : vector<8336x5xf32>, vector<5x32xf32>, vector<8336x32xf32> -> vector<8336x32xf32>
    %get3A_6 = arith.constant 0 : index
    %get3A_7 = arith.constant 0 : index
    %get3A_8 = vector.load %arg3[%get3A_6, %get3A_7] : memref<1x32xf32, #tpu.memory_space<vmem>>, vector<1x32xf32>
    %add3A = vector.broadcast %get3A_8 : vector<1x32xf32> to vector<8336x32xf32>
    %add3A_9 = arith.addf %dot_general3A_5, %add3A : vector<8336x32xf32>
    %max3A = arith.constant 0.000000e+00 : f32
    %max3A_10 = vector.broadcast %max3A : f32 to vector<8336x32xf32>
    %max3A_11 = arith.maximumf %add3A_9, %max3A_10 : vector<8336x32xf32>
    %get3A_12 = arith.constant 0 : index
    %get3A_13 = arith.constant 0 : index
    %get3A_14 = vector.load %arg4[%get3A_12, %get3A_13] : memref<32x1xf32, #tpu.memory_space<vmem>>, vector<32x1xf32>
    %dot_general3A_15 = arith.constant dense<0.000000e+00> : vector<8336x1xf32>
    %dot_general3A_16 = tpu.matmul %max3A_11, %get3A_14, %dot_general3A_15 {dimension_numbers = #tpu.dot_dimension_numbers<[1], [0], [0], [1], [0, 0, 1, 1], [], []>, transpose_lhs_hint = false} : vector<8336x32xf32>, vector<32x1xf32>, vector<8336x1xf32> -> vector<8336x1xf32>
    %get3A_17 = arith.constant 0 : index
    %get3A_18 = arith.constant 0 : index
    %get3A_19 = vector.load %arg5[%get3A_17, %get3A_18] : memref<1x1xf32, #tpu.memory_space<vmem>>, vector<1x1xf32>
    %add3A_20 = vector.broadcast %get3A_19 : vector<1x1xf32> to vector<8336x1xf32>
    %add3A_21 = arith.addf %dot_general3A_16, %add3A_20 : vector<8336x1xf32>
    %logistic3A = arith.negf %add3A_21 : vector<8336x1xf32>
    %logistic3A_22 = math.exp %logistic3A : vector<8336x1xf32>
    %logistic3A_23 = arith.constant 1.000000e+00 : f32
    %logistic3A_24 = vector.broadcast %logistic3A_23 : f32 to vector<8336x1xf32>
    %logistic3A_25 = arith.addf %logistic3A_24, %logistic3A_22 : vector<8336x1xf32>
    %logistic3A_26 = arith.divf %logistic3A_24, %logistic3A_25 : vector<8336x1xf32>
    %mul3A = arith.constant 8336 : i32
    %mul3A_27 = arith.muli %arg0, %mul3A : i32
    %iota3A = tpu.iota {dimensions = array<i32: 0>} : vector<8336x1xi32>
    %add3A_28 = vector.broadcast %mul3A_27 : i32 to vector<8336x1xi32>
    %add3A_29 = arith.addi %add3A_28, %iota3A : vector<8336x1xi32>
    %lt3A = arith.constant 800000 : i32
    %lt3A_30 = vector.broadcast %lt3A : i32 to vector<8336x1xi32>
    %lt3A_31 = arith.cmpi slt, %add3A_29, %lt3A_30 : vector<8336x1xi32>
    %jit3A = arith.constant 0.000000e+00 : f32
    %broadcast_in_dim3A = vector.broadcast %jit3A : f32 to vector<8336x1xf32>
    %select_n3A = arith.select %lt3A_31, %logistic3A_26, %broadcast_in_dim3A : vector<8336x1xi1>, vector<8336x1xf32>
    %swap3A = arith.constant 0 : index
    %swap3A_32 = arith.constant 0 : index
    %swap3A_33 = vector.load %arg6[%swap3A, %swap3A_32] : memref<8336x1xf32, #tpu.memory_space<vmem>>, vector<8336x1xf32>
    tpu.vector_store %arg6[%swap3A, %swap3A_32], %select_n3A {strides = array<i32>} : memref<8336x1xf32, #tpu.memory_space<vmem>>, vector<8336x1xf32>,
    return
  }
  func.func @transform_0(%arg0: i32) -> (i32, i32) {
    %c0_i32 = arith.constant 0 : i32
    %c0_i32_0 = arith.constant 0 : i32
    return %arg0, %c0_i32 : i32, i32
  }
  func.func @transform_1(%arg0: i32) -> (i32, i32) {
    %c0_i32 = arith.constant 0 : i32
    %c0_i32_0 = arith.constant 0 : i32
    %c0_i32_1 = arith.constant 0 : i32
    return %c0_i32, %c0_i32_0 : i32, i32
  }
  func.func @transform_2(%arg0: i32) -> (i32, i32) {
    %c0_i32 = arith.constant 0 : i32
    %c0_i32_0 = arith.constant 0 : i32
    %c0_i32_1 = arith.constant 0 : i32
    return %c0_i32, %c0_i32_0 : i32, i32
  }
  func.func @transform_3(%arg0: i32) -> (i32, i32) {
    %c0_i32 = arith.constant 0 : i32
    %c0_i32_0 = arith.constant 0 : i32
    %c0_i32_1 = arith.constant 0 : i32
    return %c0_i32, %c0_i32_0 : i32, i32
  }
  func.func @transform_4(%arg0: i32) -> (i32, i32) {
    %c0_i32 = arith.constant 0 : i32
    %c0_i32_0 = arith.constant 0 : i32
    %c0_i32_1 = arith.constant 0 : i32
    return %c0_i32, %c0_i32_0 : i32, i32
  }
  func.func @transform_5(%arg0: i32) -> (i32, i32) {
    %c0_i32 = arith.constant 0 : i32
    %c0_i32_0 = arith.constant 0 : i32
    return %arg0, %c0_i32 : i32, i32
  }
}

module attributes {stable_mosaic.version = 14 : i64} {
  func.func @_canon_body(%arg0: memref<1x128xi32, #tpu.memory_space<vmem>>, %arg1: memref<1x128xi32, #tpu.memory_space<vmem>>, %arg2: memref<1x128xi32, #tpu.memory_space<vmem>>, %arg3: memref<1x128xi32, #tpu.memory_space<vmem>>) attributes {dimension_semantics = [], scalar_prefetch = 0 : i64, scratch_operands = 0 : i64, tpu.core_type = #tpu.core_type<tc>} {
    %get3A = arith.constant 0 : index
    %get3A_0 = arith.constant 0 : index
    %get3A_1 = vector.load %arg0[%get3A, %get3A_0] : memref<1x128xi32, #tpu.memory_space<vmem>>, vector<1x128xi32>
    %transpose3A = tpu.transpose %get3A_1, [1, 0] : vector<1x128xi32> -> vector<128x1xi32>
    %eq3A = vector.broadcast %transpose3A : vector<128x1xi32> to vector<128x128xi32>
    %eq3A_2 = vector.broadcast %get3A_1 : vector<1x128xi32> to vector<128x128xi32>
    %eq3A_3 = arith.cmpi eq, %eq3A, %eq3A_2 : vector<128x128xi32>
    %iota3A = tpu.iota {dimensions = array<i32: 1>} : vector<128x128xi32>
    %jit3A = arith.constant 128 : i32
    %broadcast_in_dim3A = vector.broadcast %jit3A : i32 to vector<128x128xi32>
    %select_n3A = arith.select %eq3A_3, %iota3A, %broadcast_in_dim3A : vector<128x128xi1>, vector<128x128xi32>
    %reduce_min3A = arith.constant dense<2147483647> : vector<128xi32>
    %reduce_min3A_4 = vector.multi_reduction <minsi>, %select_n3A, %reduce_min3A [1] : vector<128x128xi32> to vector<128xi32>
    %broadcast_in_dim3A_5 = vector.shape_cast %reduce_min3A_4 : vector<128xi32> to vector<1x128xi32>
    %swap3A = arith.constant 0 : index
    %swap3A_6 = arith.constant 0 : index
    %swap3A_7 = vector.load %arg2[%swap3A, %swap3A_6] : memref<1x128xi32, #tpu.memory_space<vmem>>, vector<1x128xi32>
    tpu.vector_store %arg2[%swap3A, %swap3A_6], %broadcast_in_dim3A_5 {strides = array<i32>} : memref<1x128xi32, #tpu.memory_space<vmem>>, vector<1x128xi32>,
    %get3A_8 = arith.constant 0 : index
    %get3A_9 = arith.constant 0 : index
    %get3A_10 = vector.load %arg1[%get3A_8, %get3A_9] : memref<1x128xi32, #tpu.memory_space<vmem>>, vector<1x128xi32>
    %transpose3A_11 = tpu.transpose %get3A_10, [1, 0] : vector<1x128xi32> -> vector<128x1xi32>
    %eq3A_12 = vector.broadcast %transpose3A_11 : vector<128x1xi32> to vector<128x128xi32>
    %eq3A_13 = vector.broadcast %get3A_10 : vector<1x128xi32> to vector<128x128xi32>
    %eq3A_14 = arith.cmpi eq, %eq3A_12, %eq3A_13 : vector<128x128xi32>
    %iota3A_15 = tpu.iota {dimensions = array<i32: 1>} : vector<128x128xi32>
    %jit3A_16 = arith.constant 128 : i32
    %broadcast_in_dim3A_17 = vector.broadcast %jit3A_16 : i32 to vector<128x128xi32>
    %select_n3A_18 = arith.select %eq3A_14, %iota3A_15, %broadcast_in_dim3A_17 : vector<128x128xi1>, vector<128x128xi32>
    %reduce_min3A_19 = arith.constant dense<2147483647> : vector<128xi32>
    %reduce_min3A_20 = vector.multi_reduction <minsi>, %select_n3A_18, %reduce_min3A_19 [1] : vector<128x128xi32> to vector<128xi32>
    %broadcast_in_dim3A_21 = vector.shape_cast %reduce_min3A_20 : vector<128xi32> to vector<1x128xi32>
    %swap3A_22 = arith.constant 0 : index
    %swap3A_23 = arith.constant 0 : index
    %swap3A_24 = vector.load %arg3[%swap3A_22, %swap3A_23] : memref<1x128xi32, #tpu.memory_space<vmem>>, vector<1x128xi32>
    tpu.vector_store %arg3[%swap3A_22, %swap3A_23], %broadcast_in_dim3A_21 {strides = array<i32>} : memref<1x128xi32, #tpu.memory_space<vmem>>, vector<1x128xi32>,
    return
  }
}

module attributes {stable_mosaic.version = 14 : i64} {
  func.func @_final_body(%arg0: memref<32x128x128xf32, #tpu.memory_space<vmem>>, %arg1: memref<128x64xf32, #tpu.memory_space<vmem>>, %arg2: memref<128x64xf32, #tpu.memory_space<vmem>>, %arg3: memref<128x64xf32, #tpu.memory_space<vmem>>, %arg4: memref<128x64xf32, #tpu.memory_space<vmem>>, %arg5: memref<64x64xf32, #tpu.memory_space<vmem>>, %arg6: memref<1x64xf32, #tpu.memory_space<vmem>>, %arg7: memref<1x128xi32, #tpu.memory_space<vmem>>, %arg8: memref<1x128xi32, #tpu.memory_space<vmem>>, %arg9: memref<1x128xi32, #tpu.memory_space<vmem>>, %arg10: memref<1x1xi32, #tpu.memory_space<vmem>>, %arg11: memref<128x64xf32, #tpu.memory_space<vmem>>, %arg12: memref<128x64xf32, #tpu.memory_space<vmem>>, %arg13: memref<1x1xf32, #tpu.memory_space<vmem>>) attributes {dimension_semantics = [], scalar_prefetch = 0 : i64, scratch_operands = 0 : i64, tpu.core_type = #tpu.core_type<tc>} {
    %get3A = arith.constant 0 : index
    %get3A_0 = arith.constant 0 : index
    %get3A_1 = arith.constant 0 : index
    %get3A_2 = vector.load %arg0[%get3A, %get3A_0, %get3A_1] : memref<32x128x128xf32, #tpu.memory_space<vmem>>, vector<32x128x128xf32>
    %reduce_sum3A = arith.constant dense<0.000000e+00> : vector<128x128xf32>
    %reduce_sum3A_3 = vector.multi_reduction <add>, %get3A_2, %reduce_sum3A [0] : vector<32x128x128xf32> to vector<128x128xf32>
    %reduce_sum3A_4 = arith.constant dense<0.000000e+00> : vector<128xf32>
    %reduce_sum3A_5 = vector.multi_reduction <add>, %reduce_sum3A_3, %reduce_sum3A_4 [1] : vector<128x128xf32> to vector<128xf32>
    %broadcast_in_dim3A = vector.shape_cast %reduce_sum3A_5 : vector<128xf32> to vector<128x1xf32>
    %gt3A = arith.constant 0.000000e+00 : f32
    %gt3A_6 = vector.broadcast %gt3A : f32 to vector<128x1xf32>
    %gt3A_7 = arith.cmpf ogt, %broadcast_in_dim3A, %gt3A_6 : vector<128x1xf32>
    %max3A = arith.constant 1.000000e-30 : f32
    %max3A_8 = vector.broadcast %max3A : f32 to vector<128x1xf32>
    %max3A_9 = arith.maximumf %broadcast_in_dim3A, %max3A_8 : vector<128x1xf32>
    %rsqrt3A = math.rsqrt %max3A_9 : vector<128x1xf32>
    %jit3A = arith.constant 0.000000e+00 : f32
    %broadcast_in_dim3A_10 = vector.broadcast %jit3A : f32 to vector<128x1xf32>
    %select_n3A = arith.select %gt3A_7, %rsqrt3A, %broadcast_in_dim3A_10 : vector<128x1xi1>, vector<128x1xf32>
    %broadcast_in_dim3A_11 = arith.constant 0.000000e+00 : f32
    %broadcast_in_dim3A_12 = vector.broadcast %broadcast_in_dim3A_11 : f32 to vector<1x128xf32>
    %mul3A = vector.broadcast %select_n3A : vector<128x1xf32> to vector<128x128xf32>
    %mul3A_13 = arith.mulf %mul3A, %reduce_sum3A_3 : vector<128x128xf32>
    %mul3A_14 = vector.broadcast %broadcast_in_dim3A_12 : vector<1x128xf32> to vector<128x128xf32>
    %mul3A_15 = arith.mulf %mul3A_13, %mul3A_14 : vector<128x128xf32>
    %broadcast_in_dim3A_16 = arith.constant 0.000000e+00 : f32
    %broadcast_in_dim3A_17 = vector.broadcast %broadcast_in_dim3A_16 : f32 to vector<128x64xf32>
    %dot_general3A = arith.constant dense<0.000000e+00> : vector<128x64xf32>
    %dot_general3A_18 = tpu.matmul %mul3A_15, %broadcast_in_dim3A_17, %dot_general3A {dimension_numbers = #tpu.dot_dimension_numbers<[1], [0], [0], [1], [0, 0, 1, 1], [], []>, transpose_lhs_hint = false} : vector<128x128xf32>, vector<128x64xf32>, vector<128x64xf32> -> vector<128x64xf32>
    %broadcast_in_dim3A_19 = arith.constant 0.000000e+00 : f32
    %broadcast_in_dim3A_20 = vector.broadcast %broadcast_in_dim3A_19 : f32 to vector<128x64xf32>
    %mul3A_21 = arith.mulf %broadcast_in_dim3A_20, %broadcast_in_dim3A_20 : vector<128x64xf32>
    %reduce_sum3A_22 = arith.constant dense<0.000000e+00> : vector<128xf32>
    %reduce_sum3A_23 = vector.multi_reduction <add>, %mul3A_21, %reduce_sum3A_22 [1] : vector<128x64xf32> to vector<128xf32>
    %broadcast_in_dim3A_24 = vector.shape_cast %reduce_sum3A_23 : vector<128xf32> to vector<128x1xf32>
    %max3A_25 = arith.constant 1.000000e-24 : f32
    %max3A_26 = vector.broadcast %max3A_25 : f32 to vector<128x1xf32>
    %max3A_27 = arith.maximumf %broadcast_in_dim3A_24, %max3A_26 : vector<128x1xf32>
    %rsqrt3A_28 = math.rsqrt %max3A_27 : vector<128x1xf32>
    %mul3A_29 = vector.broadcast %rsqrt3A_28 : vector<128x1xf32> to vector<128x64xf32>
    %mul3A_30 = arith.mulf %broadcast_in_dim3A_20, %mul3A_29 : vector<128x64xf32>
    %mul3A_31 = arith.mulf %dot_general3A_18, %dot_general3A_18 : vector<128x64xf32>
    %reduce_sum3A_32 = arith.constant dense<0.000000e+00> : vector<128xf32>
    %reduce_sum3A_33 = vector.multi_reduction <add>, %mul3A_31, %reduce_sum3A_32 [1] : vector<128x64xf32> to vector<128xf32>
    %broadcast_in_dim3A_34 = vector.shape_cast %reduce_sum3A_33 : vector<128xf32> to vector<128x1xf32>
    %max3A_35 = arith.constant 1.000000e-24 : f32
    %max3A_36 = vector.broadcast %max3A_35 : f32 to vector<128x1xf32>
    %max3A_37 = arith.maximumf %broadcast_in_dim3A_34, %max3A_36 : vector<128x1xf32>
    %rsqrt3A_38 = math.rsqrt %max3A_37 : vector<128x1xf32>
    %mul3A_39 = vector.broadcast %rsqrt3A_38 : vector<128x1xf32> to vector<128x64xf32>
    %mul3A_40 = arith.mulf %dot_general3A_18, %mul3A_39 : vector<128x64xf32>
    %get3A_41 = arith.constant 0 : index
    %get3A_42 = arith.constant 0 : index
    %get3A_43 = vector.load %arg7[%get3A_41, %get3A_42] : memref<1x128xi32, #tpu.memory_space<vmem>>, vector<1x128xi32>
    %get3A_44 = arith.constant 0 : index
    %get3A_45 = arith.constant 0 : index
    %get3A_46 = vector.load %arg8[%get3A_44, %get3A_45] : memref<1x128xi32, #tpu.memory_space<vmem>>, vector<1x128xi32>
    %get3A_47 = arith.constant 0 : index
    %get3A_48 = arith.constant 0 : index
    %get3A_49 = vector.load %arg9[%get3A_47, %get3A_48] : memref<1x128xi32, #tpu.memory_space<vmem>>, vector<1x128xi32>
    %transpose3A = tpu.transpose %get3A_43, [1, 0] : vector<1x128xi32> -> vector<128x1xi32>
    %eq3A = vector.broadcast %transpose3A : vector<128x1xi32> to vector<128x128xi32>
    %eq3A_50 = vector.broadcast %get3A_43 : vector<1x128xi32> to vector<128x128xi32>
    %eq3A_51 = arith.cmpi eq, %eq3A, %eq3A_50 : vector<128x128xi32>
    %iota3A = tpu.iota {dimensions = array<i32: 1>} : vector<128x128xi32>
    %jit3A_52 = arith.constant 128 : i32
    %broadcast_in_dim3A_53 = vector.broadcast %jit3A_52 : i32 to vector<128x128xi32>
    %select_n3A_54 = arith.select %eq3A_51, %iota3A, %broadcast_in_dim3A_53 : vector<128x128xi1>, vector<128x128xi32>
    %reduce_min3A = arith.constant dense<2147483647> : vector<128xi32>
    %reduce_min3A_55 = vector.multi_reduction <minsi>, %select_n3A_54, %reduce_min3A [1] : vector<128x128xi32> to vector<128xi32>
    %broadcast_in_dim3A_56 = vector.shape_cast %reduce_min3A_55 : vector<128xi32> to vector<128x1xi32>
    %eq3A_57 = vector.broadcast %broadcast_in_dim3A_56 : vector<128x1xi32> to vector<128x128xi32>
    %eq3A_58 = arith.cmpi eq, %iota3A, %eq3A_57 : vector<128x128xi32>
    %and3A = arith.andi %eq3A_51, %eq3A_58 : vector<128x128xi1>
    %jit3A_59 = arith.constant 1.000000e+00 : f32
    %jit3A_60 = arith.constant 0.000000e+00 : f32
    %broadcast_in_dim3A_61 = vector.broadcast %jit3A_59 : f32 to vector<128x128xf32>
    %broadcast_in_dim3A_62 = vector.broadcast %jit3A_60 : f32 to vector<128x128xf32>
    %select_n3A_63 = arith.select %and3A, %broadcast_in_dim3A_61, %broadcast_in_dim3A_62 : vector<128x128xi1>, vector<128x128xf32>
    %dot_general3A_64 = arith.constant dense<0.000000e+00> : vector<128x64xf32>
    %dot_general3A_65 = tpu.matmul %select_n3A_63, %mul3A_30, %dot_general3A_64 {dimension_numbers = #tpu.dot_dimension_numbers<[1], [0], [0], [1], [0, 0, 1, 1], [], []>, transpose_lhs_hint = false} : vector<128x128xf32>, vector<128x64xf32>, vector<128x64xf32> -> vector<128x64xf32>
    %transpose3A_66 = tpu.transpose %get3A_46, [1, 0] : vector<1x128xi32> -> vector<128x1xi32>
    %eq3A_67 = vector.broadcast %transpose3A_66 : vector<128x1xi32> to vector<128x128xi32>
    %eq3A_68 = vector.broadcast %get3A_46 : vector<1x128xi32> to vector<128x128xi32>
    %eq3A_69 = arith.cmpi eq, %eq3A_67, %eq3A_68 : vector<128x128xi32>
    %iota3A_70 = tpu.iota {dimensions = array<i32: 1>} : vector<128x128xi32>
    %jit3A_71 = arith.constant 128 : i32
    %broadcast_in_dim3A_72 = vector.broadcast %jit3A_71 : i32 to vector<128x128xi32>
    %select_n3A_73 = arith.select %eq3A_69, %iota3A_70, %broadcast_in_dim3A_72 : vector<128x128xi1>, vector<128x128xi32>
    %reduce_min3A_74 = arith.constant dense<2147483647> : vector<128xi32>
    %reduce_min3A_75 = vector.multi_reduction <minsi>, %select_n3A_73, %reduce_min3A_74 [1] : vector<128x128xi32> to vector<128xi32>
    %broadcast_in_dim3A_76 = vector.shape_cast %reduce_min3A_75 : vector<128xi32> to vector<128x1xi32>
    %eq3A_77 = vector.broadcast %broadcast_in_dim3A_76 : vector<128x1xi32> to vector<128x128xi32>
    %eq3A_78 = arith.cmpi eq, %iota3A_70, %eq3A_77 : vector<128x128xi32>
    %and3A_79 = arith.andi %eq3A_69, %eq3A_78 : vector<128x128xi1>
    %jit3A_80 = arith.constant 1.000000e+00 : f32
    %jit3A_81 = arith.constant 0.000000e+00 : f32
    %broadcast_in_dim3A_82 = vector.broadcast %jit3A_80 : f32 to vector<128x128xf32>
    %broadcast_in_dim3A_83 = vector.broadcast %jit3A_81 : f32 to vector<128x128xf32>
    %select_n3A_84 = arith.select %and3A_79, %broadcast_in_dim3A_82, %broadcast_in_dim3A_83 : vector<128x128xi1>, vector<128x128xf32>
    %dot_general3A_85 = arith.constant dense<0.000000e+00> : vector<128x64xf32>
    %dot_general3A_86 = tpu.matmul %select_n3A_84, %mul3A_40, %dot_general3A_85 {dimension_numbers = #tpu.dot_dimension_numbers<[1], [0], [0], [1], [0, 0, 1, 1], [], []>, transpose_lhs_hint = false} : vector<128x128xf32>, vector<128x64xf32>, vector<128x64xf32> -> vector<128x64xf32>
    %transpose3A_87 = tpu.transpose %get3A_49, [1, 0] : vector<1x128xi32> -> vector<128x1xi32>
    %eq3A_88 = vector.broadcast %transpose3A_87 : vector<128x1xi32> to vector<128x128xi32>
    %eq3A_89 = vector.broadcast %get3A_46 : vector<1x128xi32> to vector<128x128xi32>
    %eq3A_90 = arith.cmpi eq, %eq3A_88, %eq3A_89 : vector<128x128xi32>
    %iota3A_91 = tpu.iota {dimensions = array<i32: 1>} : vector<128x128xi32>
    %jit3A_92 = arith.constant 128 : i32
    %broadcast_in_dim3A_93 = vector.broadcast %jit3A_92 : i32 to vector<128x128xi32>
    %select_n3A_94 = arith.select %eq3A_90, %iota3A_91, %broadcast_in_dim3A_93 : vector<128x128xi1>, vector<128x128xi32>
    %reduce_min3A_95 = arith.constant dense<2147483647> : vector<128xi32>
    %reduce_min3A_96 = vector.multi_reduction <minsi>, %select_n3A_94, %reduce_min3A_95 [1] : vector<128x128xi32> to vector<128xi32>
    %broadcast_in_dim3A_97 = vector.shape_cast %reduce_min3A_96 : vector<128xi32> to vector<128x1xi32>
    %eq3A_98 = vector.broadcast %broadcast_in_dim3A_97 : vector<128x1xi32> to vector<128x128xi32>
    %eq3A_99 = arith.cmpi eq, %iota3A_91, %eq3A_98 : vector<128x128xi32>
    %and3A_100 = arith.andi %eq3A_90, %eq3A_99 : vector<128x128xi1>
    %jit3A_101 = arith.constant 1.000000e+00 : f32
    %jit3A_102 = arith.constant 0.000000e+00 : f32
    %broadcast_in_dim3A_103 = vector.broadcast %jit3A_101 : f32 to vector<128x128xf32>
    %broadcast_in_dim3A_104 = vector.broadcast %jit3A_102 : f32 to vector<128x128xf32>
    %select_n3A_105 = arith.select %and3A_100, %broadcast_in_dim3A_103, %broadcast_in_dim3A_104 : vector<128x128xi1>, vector<128x128xf32>
    %dot_general3A_106 = arith.constant dense<0.000000e+00> : vector<128x64xf32>
    %dot_general3A_107 = tpu.matmul %select_n3A_105, %mul3A_40, %dot_general3A_106 {dimension_numbers = #tpu.dot_dimension_numbers<[1], [0], [0], [1], [0, 0, 1, 1], [], []>, transpose_lhs_hint = false} : vector<128x128xf32>, vector<128x64xf32>, vector<128x64xf32> -> vector<128x64xf32>
    %mul3A_108 = arith.mulf %dot_general3A_65, %dot_general3A_65 : vector<128x64xf32>
    %reduce_sum3A_109 = arith.constant dense<0.000000e+00> : vector<128xf32>
    %reduce_sum3A_110 = vector.multi_reduction <add>, %mul3A_108, %reduce_sum3A_109 [1] : vector<128x64xf32> to vector<128xf32>
    %max3A_111 = arith.constant 1.000000e-16 : f32
    %max3A_112 = vector.broadcast %max3A_111 : f32 to vector<128xf32>
    %max3A_113 = arith.maximumf %reduce_sum3A_110, %max3A_112 : vector<128xf32>
    %sqrt3A = math.sqrt %max3A_113 : vector<128xf32>
    %mul3A_114 = arith.mulf %dot_general3A_107, %dot_general3A_107 : vector<128x64xf32>
    %reduce_sum3A_115 = arith.constant dense<0.000000e+00> : vector<128xf32>
    %reduce_sum3A_116 = vector.multi_reduction <add>, %mul3A_114, %reduce_sum3A_115 [1] : vector<128x64xf32> to vector<128xf32>
    %max3A_117 = arith.constant 1.000000e-16 : f32
    %max3A_118 = vector.broadcast %max3A_117 : f32 to vector<128xf32>
    %max3A_119 = arith.maximumf %reduce_sum3A_116, %max3A_118 : vector<128xf32>
    %sqrt3A_120 = math.sqrt %max3A_119 : vector<128xf32>
    %mul3A_121 = arith.mulf %dot_general3A_65, %dot_general3A_107 : vector<128x64xf32>
    %reduce_sum3A_122 = arith.constant dense<0.000000e+00> : vector<128xf32>
    %reduce_sum3A_123 = vector.multi_reduction <add>, %mul3A_121, %reduce_sum3A_122 [1] : vector<128x64xf32> to vector<128xf32>
    %mul3A_124 = arith.mulf %sqrt3A, %sqrt3A_120 : vector<128xf32>
    %div3A = arith.divf %reduce_sum3A_123, %mul3A_124 : vector<128xf32>
    %sub3A = arith.constant 1.000000e+00 : f32
    %sub3A_125 = vector.broadcast %sub3A : f32 to vector<128xf32>
    %sub3A_126 = arith.subf %sub3A_125, %div3A : vector<128xf32>
    %reduce_sum3A_127 = vector.shape_cast %sub3A_126 : vector<128xf32> to vector<1x128xf32>
    %reduce_sum3A_128 = arith.constant dense<0.000000e+00> : vector<1xf32>
    %reduce_sum3A_129 = vector.multi_reduction <add>, %reduce_sum3A_127, %reduce_sum3A_128 [1] : vector<1x128xf32> to vector<1xf32>
    %reduce_sum3A_130 = vector.shape_cast %reduce_sum3A_129 : vector<1xf32> to vector<1x1xf32>
    %reduce_sum3A_131 = vector.extract %reduce_sum3A_130[0, 0] : f32 from vector<1x1xf32>
    %div3A_132 = arith.constant 1.280000e+02 : f32
    %div3A_133 = arith.divf %reduce_sum3A_131, %div3A_132 : f32
    %get3A_134 = arith.constant 0 : index
    %get3A_135 = arith.constant 0 : index
    %get3A_136 = vector.load %arg10[%get3A_134, %get3A_135] : memref<1x1xi32, #tpu.memory_space<vmem>>, vector<1x1xi32>
    %get3A_137 = vector.extract %get3A_136[0, 0] : i32 from vector<1x1xi32>
    %swap3A = arith.constant 0 : index
    %swap3A_138 = arith.constant 0 : index
    %swap3A_139 = vector.load %arg11[%swap3A, %swap3A_138] : memref<128x64xf32, #tpu.memory_space<vmem>>, vector<128x64xf32>
    tpu.vector_store %arg11[%swap3A, %swap3A_138], %dot_general3A_65 {strides = array<i32>} : memref<128x64xf32, #tpu.memory_space<vmem>>, vector<128x64xf32>,
    %swap3A_140 = arith.constant 0 : index
    %swap3A_141 = arith.constant 0 : index
    %swap3A_142 = vector.load %arg12[%swap3A_140, %swap3A_141] : memref<128x64xf32, #tpu.memory_space<vmem>>, vector<128x64xf32>
    tpu.vector_store %arg12[%swap3A_140, %swap3A_141], %dot_general3A_86 {strides = array<i32>} : memref<128x64xf32, #tpu.memory_space<vmem>>, vector<128x64xf32>,
    %ne3A = arith.constant 0 : i32
    %ne3A_143 = arith.cmpi ne, %get3A_137, %ne3A : i32
    %jit3A_144 = arith.constant 0.000000e+00 : f32
    %select_n3A_145 = arith.select %ne3A_143, %div3A_133, %jit3A_144 : f32
    %reshape3A = vector.broadcast %select_n3A_145 : f32 to vector<1x1xf32>
    %swap3A_146 = arith.constant 0 : index
    %swap3A_147 = arith.constant 0 : index
    %swap3A_148 = vector.load %arg13[%swap3A_146, %swap3A_147] : memref<1x1xf32, #tpu.memory_space<vmem>>, vector<1x1xf32>
    tpu.vector_store %arg13[%swap3A_146, %swap3A_147], %reshape3A {strides = array<i32>} : memref<1x1xf32, #tpu.memory_space<vmem>>, vector<1x1xf32>,
    return
  }
}

</mosaic_0001>

<sc_bundles>
// kernel: kernel.6.cloned.1.call-start
scs
__scs_entry_jumppad:
0x0: {  	(pc) =	sbr.rel $0x88, $3  }
0x1: {  	(tag) =	ssettag $0x0;
	lr =	simm.s32 $0x1  }
0x2: {  	[smem:$0x3F8F] =	sst lr;
	_ =	strace $0xD0000000  }
0x3: {  	_ = 	snop  }
0x4: {  	_ = 	snop  }
0x5: {  	_ = 	snop  }
0x6: {  	_ = 	snop  }
0x7: {  	_ = 	snop  }
__scs_overlays_trampoline_lowered:
0x8: {  	[smem:$0x3F9E] =	sst s0  }
0x9: {  	[smem:$0x3F9F] =	sst s1  }
0xa: {  	[smem:$0x3FA0] =	sst s2  }
0xb: {  	[smem:$0x3FA1] =	sst s3  }
0xc: {  	[smem:$0x3FA2] =	sst s4  }
0xd: {  	[smem:$0x3FA3] =	sst s5  }
0xe: {  	[smem:$0x3FA4] =	sst s6  }
0xf: {  	[smem:$0x3FA5] =	sst s7  }
0x10: {  	[smem:$0x3FA6] =	sst s8  }
0x11: {  	[smem:$0x3FA7] =	sst s9;
	s0 =	simm.s32 @!p0 $0x0  }
0x12: {  	s1 =	sld [smem:$0x3F8D];
	s0 =	simm.s32 @p0 $0x1  }
0x13: {  	[smem:$0x3FA8] =	sst s0;
	s0 =	simm.s32 @!p1 $0x0  }
0x14: {  	s2 =	sld [smem:$0x3F8C];
	s0 =	simm.s32 @p1 $0x1  }
0x15: {  	[smem:$0x3FA9] =	sst s0;
	s0 =	simm.s32 @!p2 $0x0  }
0x16: {  	s3 =	sld [smem:$0x3FDB];
	s0 =	simm.s32 @p2 $0x1  }
0x17: {  	s4 =	simm.s32 $0x1BF5;
	[smem:$0x3FAB] =	sst s0  }
0x18: {  	s0 =	sld [smem:$0x3F8E];
	_ =	swait.ge [sflag:s4], $0x0  }
0x19: {  	s7 =	sld [smem:$0x3F8F]  }
0x1a: {  	s8 =	sadd.s32 $0xFFFFE003, lr  }
0x1b: {  	s9 =	sadd.s32 $0xFFFFFEF7, lr;
	s5 =	simm.s32 $0xFFFFFFFF;
	p2 =	slt.u32 s8, $0xFFFFF086  }
0x1c: {  	p1 =	slt.u32 s9, $0xF7A;
	s5 =	simm.s32 @!p2 $0x0  }
0x1d: {  	s5 =	simm.s32 @p1 $0x1;
	p0 =	seq.s32 s7, s2  }
0x1e: {  	s7 =	smul.u32 @!p0 $0xF7A, s2;
	p2 =	seq.s32 @!p0 s5, $0x0  }
0x1f: {  	s9 =	smul.u32 $0xF7A, s1;
	s8 =	simm.s32 @!p0 $0x1BF5;
	p2 =	por !p2, p0  }
0x20: {  	[sflag:s8] =	ssyncset.s32 @!p0 $0xFFFFF086;
	s6 =	sadd.s32 @!p0 s3, s7;
	s7 =	simm.s32 @!p0 $0x108  }
0x21: {  	s3 =	sadd.s32 s3, s9;
	s6 =	sadd.s32 @!p0 $0x88, s6;
	s7 =	simm.s32 @p2 $0x1082  }
0x22: {  	[simem:s7], [sflag:s8] =	dma.local @!p0 [hbm:s6], $0xF7A  }
0x23: {  	s9 =	sor.u32 $0xD0000000, s2;
	s6 =	simm.s32 $0x108;
	_ =	swait.ge @!p0 [sflag:s8], $0x0  }
0x24: {  	s3 =	sadd.s32 $0x88, s3;
	s6 =	simm.s32 @!p1 $0x1082;
	[sflag:s4] =	ssyncset.s32 $0xFFFFF086  }
0x25: {  	[simem:s6], [sflag:s4] =	dma.local [hbm:s3], $0xF7A  }
0x26: {  	[smem:$0x3F8F] =	sst s1;
	(tag) =	ssettag s2;
	_ =	strace s9  }
0x27: {  	s1 =	sld [smem:$0x3F9F]  }
0x28: {  	s2 =	sld [smem:$0x3FA0]  }
0x29: {  	s4 =	sld [smem:$0x3FA2]  }
0x2a: {  	p0 =	seq.s32 s5, $0x0;
	s5 =	sld [smem:$0x3FA3]  }
0x2b: {  	s6 =	sld [smem:$0x3FA4]  }
0x2c: {  	s7 =	sld [smem:$0x3FA5]  }
0x2d: {  	s3 =	simm.s32 $0x108;
	s8 =	sld [smem:$0x3FA6]  }
0x2e: {  	s3 =	simm.s32 @!p0 $0x1082;
	s9 =	sld [smem:$0x3FA7]  }
0x2f: {  	lr =	sadd.s32 s0, s3;
	s0 =	sld [smem:$0x3F9E]  }
0x30: {  	s3 =	sld [smem:$0x3FA1]  }
0x31: {  	[smem:$0x3FAA] =	sst s10  }
0x32: {  	s10 =	sld [smem:$0x3FA8];
	_ =	sdelay $0x3  }
0x33: {  	p0 =	seq.s32 s10, $0x1;
	s10 =	sld [smem:$0x3FAA];
	_ =	sdelay $0x3  }
0x34: {  	[smem:$0x3FAA] =	sst s10  }
0x35: {  	s10 =	sld [smem:$0x3FA9];
	_ =	sdelay $0x3  }
0x36: {  	p1 =	seq.s32 s10, $0x1;
	s10 =	sld [smem:$0x3FAA];
	_ =	sdelay $0x3  }
0x37: {  	[smem:$0x3FAA] =	sst s10  }
0x38: {  	s10 =	sld [smem:$0x3FAB]  }
0x39: {  	_ = 	snop;
	(pc) =	sbr.ind lr, $3  }
0x3a: {  	_ = 	snop  }
0x3b: {  	_ = 	snop  }
0x3c: {  	p2 =	seq.s32 s10, $0x1;
	s10 =	sld [smem:$0x3FAA]  }
0x3d: {  	_ =	shalt  }
0x3e: {  	_ =	shalt  }
0x3f: {  	_ =	shalt  }
0x40: {  	_ =	shalt  }
0x41: {  	_ =	shalt  }
0x42: {  	_ =	shalt  }
0x43: {  	_ =	shalt  }
0x44: {  	_ =	shalt  }
0x45: {  	_ =	shalt  }
0x46: {  	_ =	shalt  }
0x47: {  	_ =	shalt  }
0x48: {  	_ =	shalt  }
0x49: {  	_ =	shalt  }
0x4a: {  	_ =	shalt  }
0x4b: {  	_ =	shalt  }
0x4c: {  	_ =	shalt  }
0x4d: {  	_ =	shalt  }
0x4e: {  	_ =	shalt  }
0x4f: {  	_ =	shalt  }
0x50: {  	_ =	shalt  }
0x51: {  	_ =	shalt  }
0x52: {  	_ =	shalt  }
0x53: {  	_ =	shalt  }
0x54: {  	_ =	shalt  }
0x55: {  	_ =	shalt  }
0x56: {  	_ =	shalt  }
0x57: {  	_ =	shalt  }
0x58: {  	_ =	shalt  }
0x59: {  	_ =	shalt  }
0x5a: {  	_ =	shalt  }
0x5b: {  	_ =	shalt  }
0x5c: {  	_ =	shalt  }
0x5d: {  	_ =	shalt  }
0x5e: {  	_ =	shalt  }
0x5f: {  	_ =	shalt  }
0x60: {  	_ =	shalt  }
0x61: {  	_ =	shalt  }
0x62: {  	_ =	shalt  }
0x63: {  	_ =	shalt  }
0x64: {  	_ =	shalt  }
0x65: {  	_ =	shalt  }
0x66: {  	_ =	shalt  }
0x67: {  	_ =	shalt  }
0x68: {  	_ =	shalt  }
0x69: {  	_ =	shalt  }
0x6a: {  	_ =	shalt  }
0x6b: {  	_ =	shalt  }
0x6c: {  	_ =	shalt  }
0x6d: {  	_ =	shalt  }
0x6e: {  	_ =	shalt  }
0x6f: {  	_ =	shalt  }
0x70: {  	_ =	shalt  }
0x71: {  	_ =	shalt  }
0x72: {  	_ =	shalt  }
0x73: {  	_ =	shalt  }
0x74: {  	_ =	shalt  }
0x75: {  	_ =	shalt  }
0x76: {  	_ =	shalt  }
0x77: {  	_ =	shalt  }
0x78: {  	_ =	shalt  }
0x79: {  	_ =	shalt  }
0x7a: {  	_ =	shalt  }
0x7b: {  	_ =	shalt  }
0x7c: {  	_ =	shalt  }
0x7d: {  	_ =	shalt  }
0x7e: {  	_ =	shalt  }
0x7f: {  	_ =	shalt  }
0x80: {  	_ =	shalt  }
0x81: {  	_ =	shalt  }
0x82: {  	_ =	shalt  }
0x83: {  	_ =	shalt  }
0x84: {  	_ =	shalt  }
0x85: {  	_ =	shalt  }
0x86: {  	_ =	shalt  }
0x87: {  	_ =	shalt  }
.Lfunc_end0:
.L_simem_size_0:
called_computation_lowered:
.L_overlay_start_0:
0x88: {  	s2 =	sld [smem:$0x3FD9]  }
0x89: {  	s3 =	sld [smem:$0x3FFE];
	_ =	sdelay $0x1  }
0x8a: {  	s1 =	srdreg.scid  }
0x8b: {  	s0 =	sand.u32 $0x1, s1  }
0x8c: {  	s14 =	sshll.u32 s0, $0xA;
	s2 =	sadd.s32 s3, s2  }
0x8d: {  	s2 =	sadd.s32 s2, s14  }
0x8e: {  	[smem:$0x3FB6] =	sst s2  }
0x8f: {  	_ = 	snop  }
0x90: {  	s2 =	sld [smem:$0x3FC9]  }
0x91: {  	s15 =	sld [smem:$0x3FD0]  }
0x92: {  	s4 =	sld [smem:$0x3FC8]  }
0x93: {  	s5 =	sld [smem:$0x3FBB]  }
0x94: {  	s7 =	simm.s32 $0xA;
	s8 =	simm.s32 $0x10;
	s6 =	sld [smem:$0x3FBA]  }
0x95: {  	[smem:s8], [sflag:s7] =	dma.local [hbm:s15], $0x1  }
0x96: {  	_ =	swait.eq [sflag:s7], $0x1  }
0x97: {  	s16 =	sld [smem:$0x10];
	[sflag:s7] =	ssyncset.done $0x0  }
0x98: {  	s17 =	sld [smem:$0x11];
	[sflag:s7] =	ssyncadd.s32 $0xFFFFFFFF  }
0x99: {  	s18 =	sld [smem:$0x12];
	(tm) =	ssettm $0x1  }
0x9a: {  	s9 =	sld [smem:$0x3FFB];
	_ =	sdelay $0x3  }
0x9b: {  	_ =	strace s9  }
0x9c: {  	s9 =	sld [smem:$0x3FFC];
	_ =	sdelay $0x3  }
0x9d: {  	_ =	strace s9  }
0x9e: {  	s9 =	sld [smem:$0x3FFD];
	_ =	sdelay $0x3  }
0x9f: {  	_ =	strace s9  }
0xa0: {  	_ =	strace $0x8FFFFFFF  }
0xa1: {  	s19 =	sld [smem:$0x3FDB];
	_ =	sdelay $0x1  }
0xa2: {  	s10 =	simm.s32 $_scs_section_size  }
0xa3: {  	s11 =	simm.s32 $_size__tile_overlayer_lowered;
	s12 =	simm.s32 $_tile_overlayer_lowered  }
0xa4: {  	s22 =	simm.s32 $0x1BFF;
	s21 =	sshll.u32 s12, $0x1;
	s9 =	sadd.s32 s10, s19  }
0xa5: {  	s13 =	simm.s32 $0x0;
	s20 =	sshll.u32 s11, $0x1;
	s11 =	sadd.s32 s21, s9  }
0xa6: {  	[timem:s13], [sflag:s22] =	dma.local [hbm:s11], s20  }
0xa7: {  	_ =	swait.ge [sflag:s22], s20  }
0xa8: {  	s10 =	ssub.s32 $0x0, s20;
	[sflag:s22] =	ssyncset.done $0x0  }
0xa9: {  	[sflag:s22] =	ssyncadd.s32 s10;
	_ =	sdelay $0x1  }
0xaa: {  	s23 =	simm.s32 $0x1B8B  }
0xab: {  	_ =	swait.ge [sflag:s23], $0x1  }
0xac: {  	[sflag:s23] =	ssyncset.done $0x0  }
0xad: {  	s25 =	simm.s32 $0x1B8E;
	s24 =	sld [smem:$0x3FFE];
	[sflag:s23] =	ssyncadd.s32 $0xFFFFFFFF  }
0xae: {  	s26 =	simm.s32 $execute0_lowered;
	[smem:$0x3FD2] =	sst s25  }
0xaf: {  	s11 =	sshll.u32 s26, $0x1;
	_ =	strace $0x80000046;
	[dreg:$0x1] =	wrdreg $0xFFFFFFFF  }
0xb0: {  	s28 =	simm.s32 $_size_execute0_lowered;
	s9 =	sadd.s32 s9, s11;
	[dreg:$0x0] =	wrdreg $0x0  }
0xb1: {  	s11 =	sshll.u32 s28, $0x1;
	[dreg:$0x2] =	wrdreg s9  }
0xb2: {  	[dreg:$0x3] =	wrdreg s11  }
0xb3: {  	[dreg:$0x4] =	wrdreg $0xC0  }
0xb4: {  	_ =	task [dreg:s13], $0x5FFFF  }
0xb5: {  	[dreg:$0x1] =	wrdreg $0xFFFFFFFF  }
0xb6: {  	[dreg:$0x0] =	wrdreg $0x60  }
0xb7: {  	[dreg:$0x2] =	wrdreg s24  }
0xb8: {  	[dreg:$0x3] =	wrdreg s2  }
0xb9: {  	[dreg:$0x4] =	wrdreg s4  }
0xba: {  	[dreg:$0x5] =	wrdreg s18  }
0xbb: {  	[dreg:$0x6] =	wrdreg s5  }
0xbc: {  	[dreg:$0x7] =	wrdreg s6  }
0xbd: {  	[dreg:$0x8] =	wrdreg s17  }
0xbe: {  	[dreg:$0x9] =	wrdreg s16  }
0xbf: {  	[dreg:$0xa] =	wrdreg $0x9  }
0xc0: {  	_ =	task.clear_ibuf [dreg:s13], $0xBFFFF;
	_ =	strace $0x90000046  }
0xc1: {  	s29 =	simm.s32 $0x9;
	_ =	strace $0x80000048  }
0xc2: {  	_ =	swait.ge [sflag:s29], $0x1  }
0xc3: {  	[sflag:s29] =	ssyncadd.s32 $0xFFFFFFFF  }
0xc4: {  	_ =	strace $0x90000048  }
0xc5: {  	_ =	sfence  }
0xc6: {  	s30 =	sld [smem:$0x0];
	_ =	sdelay $0x2  }
0xc7: {  	s31 =	sshll.u32 s1, $0xD;
	s1 =	sshrl.u32 s1, $0x2  }
0xc8: {  	s3 =	sand.u32 $0x4000, s31;
	s1 =	sadd.s32 s1, s30  }
0xc9: {  	s0 =	sor.u32 s3, s0;
	s1 =	sshll.u32 s1, $0x11  }
0xca: {  	s0 =	sor.u32 s1, s0  }
0xcb: {  	s0 =	sadd.s32 $0x8F2B, s0  }
0xcc: {  	[sflag:s0] =	ssyncadd.remote.s32 $0x1  }
0xcd: {  	_ =	sfence.sel $0xFFFF  }
0xce: {  	[dreg:$0x0] =	wrdreg $0xFFFFFFFF;
	(pc) =	sbr.abs _section_cstart, $3  }
0xcf: {  	[dreg:$0x1] =	wrdreg $0xFFFFFFFF  }
0xd0: {  	_ =	task.clear_ibuf [dreg:s13], $0x2FFFF;
	_ =	strace $0x9FFFFFFF  }
0xd1: {  	(tm) =	ssettm $0x7FFFFFFF  }
tec
execute0_lowered:
.L_overlay_start_1:
0x0: {  	(tag) =	ssettag $0x1  }
0x1: {  	s0 =	rddreg [dreg:$0x0]  }
0x2: {  	s8 =	simm.s32 $0x0;
	s1 =	srdreg.scid;
	s3 =	stileid.u32  }
0x3: {  	s24 =	simm.s32 $0x2;
	s28 =	simm.s32 $0x16690;
	s29 =	simm.s32 $0x61B0  }
0x4: {  	s30 =	simm.s32 $0xC360;
	s31 =	simm.s32 $0xE3F0;
	s10 =	simm.s32 $0x12510  }
0x5: {  	[smem:$0x7FF] =	sst s8;
	s9 =	sadd.s32 $0xCCFC00, s0;
	s11 =	sadd.s32 $0x3000, s0  }
0x6: {  	s12 =	sadd.s32 $0x1B800, s0;
	s13 =	sadd.s32 $0x34000, s0;
	s14 =	sadd.s32 $0xC50800, s0  }
0x7: {  	s1 =	sand.u32 $0x1, s1;
	s15 =	sadd.s32 $0xC81600, s0;
	s16 =	sadd.s32 $0xCB2400, s0  }
0x8: {  	s17 =	sadd.s32 $0xCBC200, s0;
	s18 =	sadd.s32 $0x34200, s0;
	s2 =	sshll.u32 s1, $0x4  }
0x9: {  	s19 =	sadd.s32 $0x34600, s0;
	s1 =	ssub.s32 $0x2, s1;
	s2 =	sor.u32 s3, s2  }
0xa: {  	_ =	strace $0x80000047;
	s4 =	sshrl.u32 s1, $0x1;
	s3 =	sshll.u32 s2, $0xB  }
0xb: {  	s26 =	ssub.s32 s1, s4;
	s20 =	smul.u32 $0x61B0, s2;
	p0 =	sne.s32 s2, $0x0  }
0xc: {  	v0 =	vimm.s32 $0xFFFFFFFF;
	vm12 =	vcmask $0x3734;
	vm13 =	vcmask $0x3B38;
	s1 =	simm.s32 $0x10480;
	s3 =	sadd.s32 s3, s0;
	s22 =	smax.u32 s26, $0x1  }
0xd: {  	vm14 =	vcmask $0x3F3C;
	v1 =	vimm.f32 $0.0e+00;
	v2 =	vimm.s32 $0x0;
	s26 =	simm.s32 $0x16610;
	s0 =	simm.s32 $0x0;
	s21 =	sadd.s32 $0x34A00, s3  }
.LBB2_1:
0xe: {  	s2 =	simm.s32 $0x40;
	s3 =	simm.s32 $0x0  }
.LBB2_2:
0xf: {  	p1 =	sne.s32 s2, $0x18680;
	[tilespmem:s3+$0x0] =	vst v0;
	s4 =	smov.u32 s2;
	s2 =	sadd.s32 $0x40, s2  }
.Ltmp0:
0x10: {  	[tilespmem:s3+$0x61B0] =	vst v0;
	(pc) =	sbr.rel @p1 .LBB2_2-.Ltmp0, $2  }
0x11: {  	_ =	sdelay $0x2  }
0x12: {  	s3 =	sshra.s32 s4, $0x2  }
0x13: {  	[tilespmem:s3+$0x0] =	vst v0  }
0x14: {  	[tilespmem:s3+$0x61B0] =	vst v0;
	s2 =	simm.s32 $0x0;
	s6 =	rddreg [dreg:$0x1];
	s4 =	simm.s32 $0x16510  }
0x15: {  	[tilespmem:s4], [sflag:$0x2] =	stream.linear.gather [hbm4b:s6+s2], $0x80, $0x38;
	[tilespmem:$0x18790] =	vst v63  }
0x16: {  	_ =	swait.ge [sflag:s24], $0x80  }
0x17: {  	[sflag:s24] =	ssyncset.done $0x0  }
0x18: {  	[sflag:s24] =	ssyncadd.s32 $0xFFFFFF80  }
0x19: {  	s23 =	simm.s32 $0x16590;
	s7 =	rddreg [dreg:$0x2]  }
0x1a: {  	[tilespmem:s23], [sflag:$0x2] =	stream.linear.gather [hbm4b:s7+s2], $0x80, $0x38;
	[tilespmem:$0x18790] =	vst v63  }
0x1b: {  	_ =	swait.ge [sflag:s24], $0x80  }
0x1c: {  	[sflag:s24] =	ssyncset.done $0x0  }
0x1d: {  	[sflag:s24] =	ssyncadd.s32 $0xFFFFFF80  }
0x1e: {  	s25 =	rddreg [dreg:$0x3]  }
0x1f: {  	[tilespmem:s26], [sflag:$0x2] =	stream.linear.gather [hbm4b:s25+s2], $0x80, $0x38;
	[tilespmem:$0x18790] =	vst v63  }
0x20: {  	_ =	swait.ge [sflag:s24], $0x80  }
0x21: {  	[sflag:s24] =	ssyncset.done $0x0  }
0x22: {  	[sflag:s24] =	ssyncadd.s32 $0xFFFFFF80  }
0x23: {  	[tilespmem:s28], [sflag:$0x2] =	stream.linear.gather [hbm4b:s13+s2], $0x80, $0x38;
	[tilespmem:$0x18790] =	vst v63  }
0x24: {  	_ =	swait.ge [sflag:s24], $0x80  }
0x25: {  	[sflag:s24] =	ssyncset.done $0x0  }
0x26: {  	[sflag:s24] =	ssyncadd.s32 $0xFFFFFF80  }
0x27: {  	v3 =	vld [tilespmem:$0x16510]  }
0x28: {  	v4 =	vld [tilespmem:$0x16590];
	_ =	sdelay $0x1  }
0x29: {  	v5 =	vld [tilespmem:$0x16610]  }
0x2a: {  	vm0 =	vcmask $0x704;
	v6 =	vld [tilespmem:$0x16690];
	_ =	sdelay $0x1  }
0x2b: {  	vm1 =	vcmask $0xB08;
	_ =	sdelay $0x1  }
0x2c: {  	vm2 =	vcmask $0xF0C;
	[tilespmem:v3+s2+$0x0] =	vst.idx.msk $0x1, v5  }
0x2d: {  	[tilespmem:v4+s29+$0x0] =	vst.idx.msk $0x1, v6  }
0x2e: {  	vm3 =	vcmask $0x1310;
	[tilespmem:v3+s2+$0x0] =	vst.idx.msk vm0, v5  }
0x2f: {  	[tilespmem:v4+s29+$0x0] =	vst.idx.msk vm0, v6  }
0x30: {  	vm4 =	vcmask $0x1714;
	[tilespmem:v3+s2+$0x0] =	vst.idx.msk vm1, v5  }
0x31: {  	[tilespmem:v4+s29+$0x0] =	vst.idx.msk vm1, v6  }
0x32: {  	vm5 =	vcmask $0x1B18;
	[tilespmem:v3+s2+$0x0] =	vst.idx.msk vm2, v5  }
0x33: {  	[tilespmem:v4+s29+$0x0] =	vst.idx.msk vm2, v6  }
0x34: {  	vm6 =	vcmask $0x1F1C;
	[tilespmem:v3+s2+$0x0] =	vst.idx.msk vm3, v5  }
0x35: {  	[tilespmem:v4+s29+$0x0] =	vst.idx.msk vm3, v6  }
0x36: {  	vm7 =	vcmask $0x2320;
	[tilespmem:v3+s2+$0x0] =	vst.idx.msk vm4, v5  }
0x37: {  	[tilespmem:v4+s29+$0x0] =	vst.idx.msk vm4, v6  }
0x38: {  	vm8 =	vcmask $0x2724;
	[tilespmem:v3+s2+$0x0] =	vst.idx.msk vm5, v5  }
0x39: {  	[tilespmem:v4+s29+$0x0] =	vst.idx.msk vm5, v6  }
0x3a: {  	vm9 =	vcmask $0x2B28;
	[tilespmem:v3+s2+$0x0] =	vst.idx.msk vm6, v5  }
0x3b: {  	[tilespmem:v4+s29+$0x0] =	vst.idx.msk vm6, v6  }
0x3c: {  	vm10 =	vcmask $0x2F2C;
	[tilespmem:v3+s2+$0x0] =	vst.idx.msk vm7, v5  }
0x3d: {  	[tilespmem:v4+s29+$0x0] =	vst.idx.msk vm7, v6  }
0x3e: {  	vm11 =	vcmask $0x3330;
	[tilespmem:v3+s2+$0x0] =	vst.idx.msk vm8, v5  }
0x3f: {  	[tilespmem:v4+s29+$0x0] =	vst.idx.msk vm8, v6  }
0x40: {  	[tilespmem:v3+s2+$0x0] =	vst.idx.msk vm9, v5  }
0x41: {  	[tilespmem:v4+s29+$0x0] =	vst.idx.msk vm9, v6  }
0x42: {  	[tilespmem:v3+s2+$0x0] =	vst.idx.msk vm10, v5  }
0x43: {  	[tilespmem:v4+s29+$0x0] =	vst.idx.msk vm10, v6  }
0x44: {  	[tilespmem:v3+s2+$0x0] =	vst.idx.msk vm11, v5  }
0x45: {  	[tilespmem:v4+s29+$0x0] =	vst.idx.msk vm11, v6  }
0x46: {  	[tilespmem:v3+s2+$0x0] =	vst.idx.msk vm12, v5  }
0x47: {  	[tilespmem:v4+s29+$0x0] =	vst.idx.msk vm12, v6  }
0x48: {  	[tilespmem:v3+s2+$0x0] =	vst.idx.msk vm13, v5  }
0x49: {  	[tilespmem:v4+s29+$0x0] =	vst.idx.msk vm13, v6  }
0x4a: {  	[tilespmem:v3+s2+$0x0] =	vst.idx.msk vm14, v5  }
0x4b: {  	[tilespmem:v4+s29+$0x0] =	vst.idx.msk vm14, v6  }
0x4c: {  	v3 =	vld [tilespmem:$0x16520]  }
0x4d: {  	v4 =	vld [tilespmem:$0x165A0];
	_ =	sdelay $0x1  }
0x4e: {  	v5 =	vld [tilespmem:$0x16620]  }
0x4f: {  	v6 =	vld [tilespmem:$0x166A0];
	_ =	sdelay $0x3  }
0x50: {  	[tilespmem:v3+s2+$0x0] =	vst.idx.msk $0x1, v5  }
0x51: {  	[tilespmem:v4+s29+$0x0] =	vst.idx.msk $0x1, v6  }
0x52: {  	[tilespmem:v3+s2+$0x0] =	vst.idx.msk vm0, v5  }
0x53: {  	[tilespmem:v4+s29+$0x0] =	vst.idx.msk vm0, v6  }
0x54: {  	[tilespmem:v3+s2+$0x0] =	vst.idx.msk vm1, v5  }
0x55: {  	[tilespmem:v4+s29+$0x0] =	vst.idx.msk vm1, v6  }
0x56: {  	[tilespmem:v3+s2+$0x0] =	vst.idx.msk vm2, v5  }
0x57: {  	[tilespmem:v4+s29+$0x0] =	vst.idx.msk vm2, v6  }
0x58: {  	[tilespmem:v3+s2+$0x0] =	vst.idx.msk vm3, v5  }
0x59: {  	[tilespmem:v4+s29+$0x0] =	vst.idx.msk vm3, v6  }
0x5a: {  	[tilespmem:v3+s2+$0x0] =	vst.idx.msk vm4, v5  }
0x5b: {  	[tilespmem:v4+s29+$0x0] =	vst.idx.msk vm4, v6  }
0x5c: {  	[tilespmem:v3+s2+$0x0] =	vst.idx.msk vm5, v5  }
0x5d: {  	[tilespmem:v4+s29+$0x0] =	vst.idx.msk vm5, v6  }
0x5e: {  	[tilespmem:v3+s2+$0x0] =	vst.idx.msk vm6, v5  }
0x5f: {  	[tilespmem:v4+s29+$0x0] =	vst.idx.msk vm6, v6  }
0x60: {  	[tilespmem:v3+s2+$0x0] =	vst.idx.msk vm7, v5  }
0x61: {  	[tilespmem:v4+s29+$0x0] =	vst.idx.msk vm7, v6  }
0x62: {  	[tilespmem:v3+s2+$0x0] =	vst.idx.msk vm8, v5  }
0x63: {  	[tilespmem:v4+s29+$0x0] =	vst.idx.msk vm8, v6  }
0x64: {  	[tilespmem:v3+s2+$0x0] =	vst.idx.msk vm9, v5  }
0x65: {  	[tilespmem:v4+s29+$0x0] =	vst.idx.msk vm9, v6  }
0x66: {  	[tilespmem:v3+s2+$0x0] =	vst.idx.msk vm10, v5  }
0x67: {  	[tilespmem:v4+s29+$0x0] =	vst.idx.msk vm10, v6  }
0x68: {  	[tilespmem:v3+s2+$0x0] =	vst.idx.msk vm11, v5  }
0x69: {  	[tilespmem:v4+s29+$0x0] =	vst.idx.msk vm11, v6  }
0x6a: {  	[tilespmem:v3+s2+$0x0] =	vst.idx.msk vm12, v5  }
0x6b: {  	[tilespmem:v4+s29+$0x0] =	vst.idx.msk vm12, v6  }
0x6c: {  	[tilespmem:v3+s2+$0x0] =	vst.idx.msk vm13, v5  }
0x6d: {  	[tilespmem:v4+s29+$0x0] =	vst.idx.msk vm13, v6  }
0x6e: {  	[tilespmem:v3+s2+$0x0] =	vst.idx.msk vm14, v5  }
0x6f: {  	[tilespmem:v4+s29+$0x0] =	vst.idx.msk vm14, v6  }
0x70: {  	v3 =	vld [tilespmem:$0x16530]  }
0x71: {  	v4 =	vld [tilespmem:$0x165B0];
	_ =	sdelay $0x1  }
0x72: {  	v5 =	vld [tilespmem:$0x16630]  }
0x73: {  	v6 =	vld [tilespmem:$0x166B0];
	_ =	sdelay $0x3  }
0x74: {  	[tilespmem:v3+s2+$0x0] =	vst.idx.msk $0x1, v5  }
0x75: {  	[tilespmem:v4+s29+$0x0] =	vst.idx.msk $0x1, v6  }
0x76: {  	[tilespmem:v3+s2+$0x0] =	vst.idx.msk vm0, v5  }
0x77: {  	[tilespmem:v4+s29+$0x0] =	vst.idx.msk vm0, v6  }
0x78: {  	[tilespmem:v3+s2+$0x0] =	vst.idx.msk vm1, v5  }
0x79: {  	[tilespmem:v4+s29+$0x0] =	vst.idx.msk vm1, v6  }
0x7a: {  	[tilespmem:v3+s2+$0x0] =	vst.idx.msk vm2, v5  }
0x7b: {  	[tilespmem:v4+s29+$0x0] =	vst.idx.msk vm2, v6  }
0x7c: {  	[tilespmem:v3+s2+$0x0] =	vst.idx.msk vm3, v5  }
0x7d: {  	[tilespmem:v4+s29+$0x0] =	vst.idx.msk vm3, v6  }
0x7e: {  	[tilespmem:v3+s2+$0x0] =	vst.idx.msk vm4, v5  }
0x7f: {  	[tilespmem:v4+s29+$0x0] =	vst.idx.msk vm4, v6  }
0x80: {  	[tilespmem:v3+s2+$0x0] =	vst.idx.msk vm5, v5  }
0x81: {  	[tilespmem:v4+s29+$0x0] =	vst.idx.msk vm5, v6  }
0x82: {  	[tilespmem:v3+s2+$0x0] =	vst.idx.msk vm6, v5  }
0x83: {  	[tilespmem:v4+s29+$0x0] =	vst.idx.msk vm6, v6  }
0x84: {  	[tilespmem:v3+s2+$0x0] =	vst.idx.msk vm7, v5  }
0x85: {  	[tilespmem:v4+s29+$0x0] =	vst.idx.msk vm7, v6  }
0x86: {  	[tilespmem:v3+s2+$0x0] =	vst.idx.msk vm8, v5  }
0x87: {  	[tilespmem:v4+s29+$0x0] =	vst.idx.msk vm8, v6  }
0x88: {  	[tilespmem:v3+s2+$0x0] =	vst.idx.msk vm9, v5  }
0x89: {  	[tilespmem:v4+s29+$0x0] =	vst.idx.msk vm9, v6  }
0x8a: {  	[tilespmem:v3+s2+$0x0] =	vst.idx.msk vm10, v5  }
0x8b: {  	[tilespmem:v4+s29+$0x0] =	vst.idx.msk vm10, v6  }
0x8c: {  	[tilespmem:v3+s2+$0x0] =	vst.idx.msk vm11, v5  }
0x8d: {  	[tilespmem:v4+s29+$0x0] =	vst.idx.msk vm11, v6  }
0x8e: {  	[tilespmem:v3+s2+$0x0] =	vst.idx.msk vm12, v5  }
0x8f: {  	[tilespmem:v4+s29+$0x0] =	vst.idx.msk vm12, v6  }
0x90: {  	[tilespmem:v3+s2+$0x0] =	vst.idx.msk vm13, v5  }
0x91: {  	[tilespmem:v4+s29+$0x0] =	vst.idx.msk vm13, v6  }
0x92: {  	[tilespmem:v3+s2+$0x0] =	vst.idx.msk vm14, v5  }
0x93: {  	[tilespmem:v4+s29+$0x0] =	vst.idx.msk vm14, v6  }
0x94: {  	v3 =	vld [tilespmem:$0x16540]  }
0x95: {  	v4 =	vld [tilespmem:$0x165C0];
	_ =	sdelay $0x1  }
0x96: {  	v5 =	vld [tilespmem:$0x16640]  }
0x97: {  	v6 =	vld [tilespmem:$0x166C0];
	_ =	sdelay $0x3  }
0x98: {  	[tilespmem:v3+s2+$0x0] =	vst.idx.msk $0x1, v5  }
0x99: {  	[tilespmem:v4+s29+$0x0] =	vst.idx.msk $0x1, v6  }
0x9a: {  	[tilespmem:v3+s2+$0x0] =	vst.idx.msk vm0, v5  }
0x9b: {  	[tilespmem:v4+s29+$0x0] =	vst.idx.msk vm0, v6  }
0x9c: {  	[tilespmem:v3+s2+$0x0] =	vst.idx.msk vm1, v5  }
0x9d: {  	[tilespmem:v4+s29+$0x0] =	vst.idx.msk vm1, v6  }
0x9e: {  	[tilespmem:v3+s2+$0x0] =	vst.idx.msk vm2, v5  }
0x9f: {  	[tilespmem:v4+s29+$0x0] =	vst.idx.msk vm2, v6  }
0xa0: {  	[tilespmem:v3+s2+$0x0] =	vst.idx.msk vm3, v5  }
0xa1: {  	[tilespmem:v4+s29+$0x0] =	vst.idx.msk vm3, v6  }
0xa2: {  	[tilespmem:v3+s2+$0x0] =	vst.idx.msk vm4, v5  }
0xa3: {  	[tilespmem:v4+s29+$0x0] =	vst.idx.msk vm4, v6  }
0xa4: {  	[tilespmem:v3+s2+$0x0] =	vst.idx.msk vm5, v5  }
0xa5: {  	[tilespmem:v4+s29+$0x0] =	vst.idx.msk vm5, v6  }
0xa6: {  	[tilespmem:v3+s2+$0x0] =	vst.idx.msk vm6, v5  }
0xa7: {  	[tilespmem:v4+s29+$0x0] =	vst.idx.msk vm6, v6  }
0xa8: {  	[tilespmem:v3+s2+$0x0] =	vst.idx.msk vm7, v5  }
0xa9: {  	[tilespmem:v4+s29+$0x0] =	vst.idx.msk vm7, v6  }
0xaa: {  	[tilespmem:v3+s2+$0x0] =	vst.idx.msk vm8, v5  }
0xab: {  	[tilespmem:v4+s29+$0x0] =	vst.idx.msk vm8, v6  }
0xac: {  	[tilespmem:v3+s2+$0x0] =	vst.idx.msk vm9, v5  }
0xad: {  	[tilespmem:v4+s29+$0x0] =	vst.idx.msk vm9, v6  }
0xae: {  	[tilespmem:v3+s2+$0x0] =	vst.idx.msk vm10, v5  }
0xaf: {  	[tilespmem:v4+s29+$0x0] =	vst.idx.msk vm10, v6  }
0xb0: {  	[tilespmem:v3+s2+$0x0] =	vst.idx.msk vm11, v5  }
0xb1: {  	[tilespmem:v4+s29+$0x0] =	vst.idx.msk vm11, v6  }
0xb2: {  	[tilespmem:v3+s2+$0x0] =	vst.idx.msk vm12, v5  }
0xb3: {  	[tilespmem:v4+s29+$0x0] =	vst.idx.msk vm12, v6  }
0xb4: {  	[tilespmem:v3+s2+$0x0] =	vst.idx.msk vm13, v5  }
0xb5: {  	[tilespmem:v4+s29+$0x0] =	vst.idx.msk vm13, v6  }
0xb6: {  	[tilespmem:v3+s2+$0x0] =	vst.idx.msk vm14, v5  }
0xb7: {  	[tilespmem:v4+s29+$0x0] =	vst.idx.msk vm14, v6  }
0xb8: {  	v3 =	vld [tilespmem:$0x16550]  }
0xb9: {  	v4 =	vld [tilespmem:$0x165D0];
	_ =	sdelay $0x1  }
0xba: {  	v5 =	vld [tilespmem:$0x16650]  }
0xbb: {  	v6 =	vld [tilespmem:$0x166D0];
	_ =	sdelay $0x3  }
0xbc: {  	[tilespmem:v3+s2+$0x0] =	vst.idx.msk $0x1, v5  }
0xbd: {  	[tilespmem:v4+s29+$0x0] =	vst.idx.msk $0x1, v6  }
0xbe: {  	[tilespmem:v3+s2+$0x0] =	vst.idx.msk vm0, v5  }
0xbf: {  	[tilespmem:v4+s29+$0x0] =	vst.idx.msk vm0, v6  }
0xc0: {  	[tilespmem:v3+s2+$0x0] =	vst.idx.msk vm1, v5  }
0xc1: {  	[tilespmem:v4+s29+$0x0] =	vst.idx.msk vm1, v6  }
0xc2: {  	[tilespmem:v3+s2+$0x0] =	vst.idx.msk vm2, v5  }
0xc3: {  	[tilespmem:v4+s29+$0x0] =	vst.idx.msk vm2, v6  }
0xc4: {  	[tilespmem:v3+s2+$0x0] =	vst.idx.msk vm3, v5  }
0xc5: {  	[tilespmem:v4+s29+$0x0] =	vst.idx.msk vm3, v6  }
0xc6: {  	[tilespmem:v3+s2+$0x0] =	vst.idx.msk vm4, v5  }
0xc7: {  	[tilespmem:v4+s29+$0x0] =	vst.idx.msk vm4, v6  }
0xc8: {  	[tilespmem:v3+s2+$0x0] =	vst.idx.msk vm5, v5  }
0xc9: {  	[tilespmem:v4+s29+$0x0] =	vst.idx.msk vm5, v6  }
0xca: {  	[tilespmem:v3+s2+$0x0] =	vst.idx.msk vm6, v5  }
0xcb: {  	[tilespmem:v4+s29+$0x0] =	vst.idx.msk vm6, v6  }
0xcc: {  	[tilespmem:v3+s2+$0x0] =	vst.idx.msk vm7, v5  }
0xcd: {  	[tilespmem:v4+s29+$0x0] =	vst.idx.msk vm7, v6  }
0xce: {  	[tilespmem:v3+s2+$0x0] =	vst.idx.msk vm8, v5  }
0xcf: {  	[tilespmem:v4+s29+$0x0] =	vst.idx.msk vm8, v6  }
0xd0: {  	[tilespmem:v3+s2+$0x0] =	vst.idx.msk vm9, v5  }
0xd1: {  	[tilespmem:v4+s29+$0x0] =	vst.idx.msk vm9, v6  }
0xd2: {  	[tilespmem:v3+s2+$0x0] =	vst.idx.msk vm10, v5  }
0xd3: {  	[tilespmem:v4+s29+$0x0] =	vst.idx.msk vm10, v6  }
0xd4: {  	[tilespmem:v3+s2+$0x0] =	vst.idx.msk vm11, v5  }
0xd5: {  	[tilespmem:v4+s29+$0x0] =	vst.idx.msk vm11, v6  }
0xd6: {  	[tilespmem:v3+s2+$0x0] =	vst.idx.msk vm12, v5  }
0xd7: {  	[tilespmem:v4+s29+$0x0] =	vst.idx.msk vm12, v6  }
0xd8: {  	[tilespmem:v3+s2+$0x0] =	vst.idx.msk vm13, v5  }
0xd9: {  	[tilespmem:v4+s29+$0x0] =	vst.idx.msk vm13, v6  }
0xda: {  	[tilespmem:v3+s2+$0x0] =	vst.idx.msk vm14, v5  }
0xdb: {  	[tilespmem:v4+s29+$0x0] =	vst.idx.msk vm14, v6  }
0xdc: {  	v3 =	vld [tilespmem:$0x16560]  }
0xdd: {  	v4 =	vld [tilespmem:$0x165E0];
	_ =	sdelay $0x1  }
0xde: {  	v5 =	vld [tilespmem:$0x16660]  }
0xdf: {  	v6 =	vld [tilespmem:$0x166E0];
	_ =	sdelay $0x3  }
0xe0: {  	[tilespmem:v3+s2+$0x0] =	vst.idx.msk $0x1, v5  }
0xe1: {  	[tilespmem:v4+s29+$0x0] =	vst.idx.msk $0x1, v6  }
0xe2: {  	[tilespmem:v3+s2+$0x0] =	vst.idx.msk vm0, v5  }
0xe3: {  	[tilespmem:v4+s29+$0x0] =	vst.idx.msk vm0, v6  }
0xe4: {  	[tilespmem:v3+s2+$0x0] =	vst.idx.msk vm1, v5  }
0xe5: {  	[tilespmem:v4+s29+$0x0] =	vst.idx.msk vm1, v6  }
0xe6: {  	[tilespmem:v3+s2+$0x0] =	vst.idx.msk vm2, v5  }
0xe7: {  	[tilespmem:v4+s29+$0x0] =	vst.idx.msk vm2, v6  }
0xe8: {  	[tilespmem:v3+s2+$0x0] =	vst.idx.msk vm3, v5  }
0xe9: {  	[tilespmem:v4+s29+$0x0] =	vst.idx.msk vm3, v6  }
0xea: {  	[tilespmem:v3+s2+$0x0] =	vst.idx.msk vm4, v5  }
0xeb: {  	[tilespmem:v4+s29+$0x0] =	vst.idx.msk vm4, v6  }
0xec: {  	[tilespmem:v3+s2+$0x0] =	vst.idx.msk vm5, v5  }
0xed: {  	[tilespmem:v4+s29+$0x0] =	vst.idx.msk vm5, v6  }
0xee: {  	[tilespmem:v3+s2+$0x0] =	vst.idx.msk vm6, v5  }
0xef: {  	[tilespmem:v4+s29+$0x0] =	vst.idx.msk vm6, v6  }
0xf0: {  	[tilespmem:v3+s2+$0x0] =	vst.idx.msk vm7, v5  }
0xf1: {  	[tilespmem:v4+s29+$0x0] =	vst.idx.msk vm7, v6  }
0xf2: {  	[tilespmem:v3+s2+$0x0] =	vst.idx.msk vm8, v5  }
0xf3: {  	[tilespmem:v4+s29+$0x0] =	vst.idx.msk vm8, v6  }
0xf4: {  	[tilespmem:v3+s2+$0x0] =	vst.idx.msk vm9, v5  }
0xf5: {  	[tilespmem:v4+s29+$0x0] =	vst.idx.msk vm9, v6  }
0xf6: {  	[tilespmem:v3+s2+$0x0] =	vst.idx.msk vm10, v5  }
0xf7: {  	[tilespmem:v4+s29+$0x0] =	vst.idx.msk vm10, v6  }
0xf8: {  	[tilespmem:v3+s2+$0x0] =	vst.idx.msk vm11, v5  }
0xf9: {  	[tilespmem:v4+s29+$0x0] =	vst.idx.msk vm11, v6  }
0xfa: {  	[tilespmem:v3+s2+$0x0] =	vst.idx.msk vm12, v5  }
0xfb: {  	[tilespmem:v4+s29+$0x0] =	vst.idx.msk vm12, v6  }
0xfc: {  	[tilespmem:v3+s2+$0x0] =	vst.idx.msk vm13, v5  }
0xfd: {  	[tilespmem:v4+s29+$0x0] =	vst.idx.msk vm13, v6  }
0xfe: {  	[tilespmem:v3+s2+$0x0] =	vst.idx.msk vm14, v5  }
0xff: {  	[tilespmem:v4+s29+$0x0] =	vst.idx.msk vm14, v6  }
0x100: {  	v3 =	vld [tilespmem:$0x16570]  }
0x101: {  	v4 =	vld [tilespmem:$0x165F0];
	_ =	sdelay $0x1  }
0x102: {  	v5 =	vld [tilespmem:$0x16670]  }
0x103: {  	v6 =	vld [tilespmem:$0x166F0];
	_ =	sdelay $0x3  }
0x104: {  	[tilespmem:v3+s2+$0x0] =	vst.idx.msk $0x1, v5  }
0x105: {  	[tilespmem:v4+s29+$0x0] =	vst.idx.msk $0x1, v6  }
0x106: {  	[tilespmem:v3+s2+$0x0] =	vst.idx.msk vm0, v5  }
0x107: {  	[tilespmem:v4+s29+$0x0] =	vst.idx.msk vm0, v6  }
0x108: {  	[tilespmem:v3+s2+$0x0] =	vst.idx.msk vm1, v5  }
0x109: {  	[tilespmem:v4+s29+$0x0] =	vst.idx.msk vm1, v6  }
0x10a: {  	[tilespmem:v3+s2+$0x0] =	vst.idx.msk vm2, v5  }
0x10b: {  	[tilespmem:v4+s29+$0x0] =	vst.idx.msk vm2, v6  }
0x10c: {  	[tilespmem:v3+s2+$0x0] =	vst.idx.msk vm3, v5  }
0x10d: {  	[tilespmem:v4+s29+$0x0] =	vst.idx.msk vm3, v6  }
0x10e: {  	[tilespmem:v3+s2+$0x0] =	vst.idx.msk vm4, v5  }
0x10f: {  	[tilespmem:v4+s29+$0x0] =	vst.idx.msk vm4, v6  }
0x110: {  	[tilespmem:v3+s2+$0x0] =	vst.idx.msk vm5, v5  }
0x111: {  	[tilespmem:v4+s29+$0x0] =	vst.idx.msk vm5, v6  }
0x112: {  	[tilespmem:v3+s2+$0x0] =	vst.idx.msk vm6, v5  }
0x113: {  	[tilespmem:v4+s29+$0x0] =	vst.idx.msk vm6, v6  }
0x114: {  	[tilespmem:v3+s2+$0x0] =	vst.idx.msk vm7, v5  }
0x115: {  	[tilespmem:v4+s29+$0x0] =	vst.idx.msk vm7, v6  }
0x116: {  	[tilespmem:v3+s2+$0x0] =	vst.idx.msk vm8, v5  }
0x117: {  	[tilespmem:v4+s29+$0x0] =	vst.idx.msk vm8, v6  }
0x118: {  	[tilespmem:v3+s2+$0x0] =	vst.idx.msk vm9, v5  }
0x119: {  	[tilespmem:v4+s29+$0x0] =	vst.idx.msk vm9, v6  }
0x11a: {  	[tilespmem:v3+s2+$0x0] =	vst.idx.msk vm10, v5  }
0x11b: {  	[tilespmem:v4+s29+$0x0] =	vst.idx.msk vm10, v6  }
0x11c: {  	[tilespmem:v3+s2+$0x0] =	vst.idx.msk vm11, v5  }
0x11d: {  	[tilespmem:v4+s29+$0x0] =	vst.idx.msk vm11, v6  }
0x11e: {  	[tilespmem:v3+s2+$0x0] =	vst.idx.msk vm12, v5  }
0x11f: {  	[tilespmem:v4+s29+$0x0] =	vst.idx.msk vm12, v6  }
0x120: {  	[tilespmem:v3+s2+$0x0] =	vst.idx.msk vm13, v5  }
0x121: {  	[tilespmem:v4+s29+$0x0] =	vst.idx.msk vm13, v6  }
0x122: {  	[tilespmem:v3+s2+$0x0] =	vst.idx.msk vm14, v5  }
0x123: {  	[tilespmem:v4+s29+$0x0] =	vst.idx.msk vm14, v6  }
0x124: {  	v3 =	vld [tilespmem:$0x16580]  }
0x125: {  	v4 =	vld [tilespmem:$0x16600];
	_ =	sdelay $0x1  }
0x126: {  	v5 =	vld [tilespmem:$0x16680]  }
0x127: {  	v6 =	vld [tilespmem:$0x16700];
	_ =	sdelay $0x3  }
0x128: {  	[tilespmem:v3+s2+$0x0] =	vst.idx.msk $0x1, v5  }
0x129: {  	[tilespmem:v4+s29+$0x0] =	vst.idx.msk $0x1, v6  }
0x12a: {  	[tilespmem:v3+s2+$0x0] =	vst.idx.msk vm0, v5  }
0x12b: {  	[tilespmem:v4+s29+$0x0] =	vst.idx.msk vm0, v6  }
0x12c: {  	[tilespmem:v3+s2+$0x0] =	vst.idx.msk vm1, v5  }
0x12d: {  	[tilespmem:v4+s29+$0x0] =	vst.idx.msk vm1, v6  }
0x12e: {  	[tilespmem:v3+s2+$0x0] =	vst.idx.msk vm2, v5  }
0x12f: {  	[tilespmem:v4+s29+$0x0] =	vst.idx.msk vm2, v6  }
0x130: {  	[tilespmem:v3+s2+$0x0] =	vst.idx.msk vm3, v5  }
0x131: {  	[tilespmem:v4+s29+$0x0] =	vst.idx.msk vm3, v6  }
0x132: {  	[tilespmem:v3+s2+$0x0] =	vst.idx.msk vm4, v5  }
0x133: {  	[tilespmem:v4+s29+$0x0] =	vst.idx.msk vm4, v6  }
0x134: {  	[tilespmem:v3+s2+$0x0] =	vst.idx.msk vm5, v5  }
0x135: {  	[tilespmem:v4+s29+$0x0] =	vst.idx.msk vm5, v6  }
0x136: {  	[tilespmem:v3+s2+$0x0] =	vst.idx.msk vm6, v5  }
0x137: {  	[tilespmem:v4+s29+$0x0] =	vst.idx.msk vm6, v6  }
0x138: {  	[tilespmem:v3+s2+$0x0] =	vst.idx.msk vm7, v5  }
0x139: {  	[tilespmem:v4+s29+$0x0] =	vst.idx.msk vm7, v6  }
0x13a: {  	[tilespmem:v3+s2+$0x0] =	vst.idx.msk vm8, v5  }
0x13b: {  	[tilespmem:v4+s29+$0x0] =	vst.idx.msk vm8, v6  }
0x13c: {  	[tilespmem:v3+s2+$0x0] =	vst.idx.msk vm9, v5  }
0x13d: {  	[tilespmem:v4+s29+$0x0] =	vst.idx.msk vm9, v6  }
0x13e: {  	[tilespmem:v3+s2+$0x0] =	vst.idx.msk vm10, v5  }
0x13f: {  	[tilespmem:v4+s29+$0x0] =	vst.idx.msk vm10, v6  }
0x140: {  	[tilespmem:v3+s2+$0x0] =	vst.idx.msk vm11, v5  }
0x141: {  	[tilespmem:v4+s29+$0x0] =	vst.idx.msk vm11, v6  }
0x142: {  	[tilespmem:v3+s2+$0x0] =	vst.idx.msk vm12, v5  }
0x143: {  	[tilespmem:v4+s29+$0x0] =	vst.idx.msk vm12, v6  }
0x144: {  	[tilespmem:v3+s2+$0x0] =	vst.idx.msk vm13, v5  }
0x145: {  	[tilespmem:v4+s29+$0x0] =	vst.idx.msk vm13, v6  }
0x146: {  	[tilespmem:v3+s2+$0x0] =	vst.idx.msk vm14, v5  }
0x147: {  	s3 =	simm.s32 $0x40;
	s4 =	simm.s32 $0x0;
	[tilespmem:v4+s29+$0x0] =	vst.idx.msk vm14, v6  }
.LBB2_4:
0x148: {  	p1 =	sne.s32 s3, $0xFFC0;
	[tilespmem:s4+$0x12510] =	vst v1;
	s4 =	smov.u32 s3;
	s3 =	sadd.s32 $0x40, s3  }
.Ltmp1:
0x149: {  	(pc) =	sbr.rel @p1 .LBB2_4-.Ltmp1, $2  }
0x14a: {  	_ =	sdelay $0x2  }
0x14b: {  	s4 =	sshra.s32 s4, $0x2  }
0x14c: {  	[tilespmem:s4+$0x12510] =	vst v1  }
.LBB2_6:
0x14d: {  	s3 =	smul.u32 $0x2090, s2;
	_ =	sdelay $0x1  }
0x14e: {  	s3 =	sadd.s32 s20, s3  }
0x14f: {  	s3 =	sshrl.u32 s3, $0x3  }
0x150: {  	s5 =	simm.s32 $0x0;
	s4 =	sadd.s32 s9, s3  }
0x151: {  	[tilespmem:s30], [sflag:$0x2] =	stream.linear.gather [hbm4b:s4+s5], $0x2090, $0x38;
	[tilespmem:$0x18790] =	vst v63  }
0x152: {  	_ =	swait.ge [sflag:s24], $0x2090  }
0x153: {  	[sflag:s24] =	ssyncset.done $0x0  }
0x154: {  	s7 =	sadd.s32 s11, s3;
	[sflag:s24] =	ssyncadd.s32 $0xFFFFDF70  }
0x155: {  	[tilespmem:s31], [sflag:$0x2] =	stream.linear.gather [hbm4b:s7+s5], $0x2090, $0x38;
	[tilespmem:$0x18790] =	vst v63  }
0x156: {  	_ =	swait.ge [sflag:s24], $0x2090  }
0x157: {  	[sflag:s24] =	ssyncset.done $0x0  }
0x158: {  	s3 =	sadd.s32 s12, s3;
	[sflag:s24] =	ssyncadd.s32 $0xFFFFDF70  }
0x159: {  	[tilespmem:s1], [sflag:$0x2] =	stream.linear.gather [hbm4b:s3+s5], $0x2090, $0x38;
	[tilespmem:$0x18790] =	vst v63  }
0x15a: {  	_ =	swait.ge [sflag:s24], $0x2090  }
0x15b: {  	[sflag:s24] =	ssyncset.done $0x0  }
0x15c: {  	s23 =	simm.s32 $0x0;
	[sflag:s24] =	ssyncadd.s32 $0xFFFFDF70  }
0x15d: {  	v3 =	vld [tilespmem:s23+$0xE3F0]  }
0x15e: {  	v4 =	vld [tilespmem:s23+$0xC360];
	_ =	sdelay $0x3  }
0x15f: {  	v3 =	vadd.s32 $0xFFFF9E58, v3;
	_ =	sdelay $0x3  }
0x160: {  	v4 =	vld.idx.msk [tilespmem:v4+s8+$0x0], $0xffff  }
0x161: {  	v3 =	vld.idx.msk [tilespmem:v3+s29+$0x0], $0xffff;
	_ =	sdelay $0x4  }
0x162: {  	v5 =	vor.u32 v4, v3  }
0x163: {  	vm0 =	vgt.s32 v5, $0xFFFFFFFF  }
0x164: {  	v6 =	vsel vm0, $0x1, v2  }
0x165: {  	(xrf0) =	vadd.scan.msk.s32 $0xffff, v6;
	_ =	sdelay $0x5  }
0x166: {  	v6, _, _ =	vpop (xrf0)  }
0x167: {  	(v2sf) =	vpush v6, $0xF;
	_ =	sdelay $0xe  }
0x168: {  	s25 =	spop (v2sf)  }
0x169: {  	p1 =	slt.s32 s25, $0x1  }
0x16a: {  	vm15 =	vgt.s32 @!p1 v5, $0xFFFFFFFF;
	vm0 =	vmmov @!p1 $0x1  }
0x16b: {  	s3 =	simm.s32 @!p1 $0x0;
	v5 =	vshll.u32 @!p1 v3, $0x7;
	vm1 =	vcmask @!p1 $0x704;
	vm0 =	vmand @!p1 vm15, vm0  }
0x16c: {  	vm2 =	vcmask @!p1 $0xB08;
	v3 =	vld @!p1 [tilespmem:s3+$0x10480];
	v4 =	vadd.s32 @!p1 v4, v5;
	vm1 =	vmand @!p1 vm15, vm1  }
0x16d: {  	vm3 =	vcmask @!p1 $0xF0C;
	vm2 =	vmand @!p1 vm15, vm2  }
0x16e: {  	vm4 =	vcmask @!p1 $0x1310;
	vm3 =	vmand @!p1 vm15, vm3  }
0x16f: {  	vm5 =	vcmask @!p1 $0x1714;
	vm4 =	vmand @!p1 vm15, vm4  }
0x170: {  	vm6 =	vcmask @!p1 $0x1B18;
	s5 =	simm.s32 @!p1 $0x12510;
	vm5 =	vmand @!p1 vm15, vm5  }
0x171: {  	vm7 =	vcmask @!p1 $0x1F1C;
	vm6 =	vmand @!p1 vm15, vm6;
	[tilespmem:v4+s5+$0x0] =	vst.idx.add.f32.msk @!p1 vm0, v3  }
0x172: {  	vm7 =	vmand @!p1 vm15, vm7;
	vm0 =	vcmask @!p1 $0x2320;
	[tilespmem:v4+s5+$0x0] =	vst.idx.add.f32.msk @!p1 vm1, v3  }
0x173: {  	vm1 =	vcmask @!p1 $0x2724;
	vm0 =	vmand @!p1 vm15, vm0;
	[tilespmem:v4+s5+$0x0] =	vst.idx.add.f32.msk @!p1 vm2, v3  }
0x174: {  	vm1 =	vmand @!p1 vm15, vm1;
	vm2 =	vcmask @!p1 $0x2B28;
	[tilespmem:v4+s5+$0x0] =	vst.idx.add.f32.msk @!p1 vm3, v3  }
0x175: {  	vm2 =	vmand @!p1 vm15, vm2;
	[tilespmem:v4+s5+$0x0] =	vst.idx.add.f32.msk @!p1 vm4, v3  }
0x176: {  	[tilespmem:v4+s5+$0x0] =	vst.idx.add.f32.msk @!p1 vm5, v3  }
0x177: {  	vm3 =	vcmask @!p1 $0x2F2C;
	[tilespmem:v4+s5+$0x0] =	vst.idx.add.f32.msk @!p1 vm6, v3  }
0x178: {  	vm4 =	vcmask @!p1 $0x3330;
	vm3 =	vmand @!p1 vm15, vm3;
	[tilespmem:v4+s5+$0x0] =	vst.idx.add.f32.msk @!p1 vm7, v3  }
0x179: {  	vm4 =	vmand @!p1 vm15, vm4;
	vm5 =	vcmask @!p1 $0x3734;
	[tilespmem:v4+s5+$0x0] =	vst.idx.add.f32.msk @!p1 vm0, v3  }
0x17a: {  	vm5 =	vmand @!p1 vm15, vm5;
	vm0 =	vcmask @!p1 $0x3B38;
	[tilespmem:v4+s5+$0x0] =	vst.idx.add.f32.msk @!p1 vm1, v3  }
0x17b: {  	vm1 =	vmand @!p1 vm15, vm0;
	[tilespmem:v4+s5+$0x0] =	vst.idx.add.f32.msk @!p1 vm2, v3;
	vm2 =	vcmask @!p1 $0x3F3C  }
0x17c: {  	vm15 =	vmand @!p1 vm15, vm2;
	_ =	sdelay $0x1  }
0x17d: {  	[tilespmem:v4+s5+$0x0] =	vst.idx.add.f32.msk @!p1 vm3, v3  }
0x17e: {  	[tilespmem:v4+s5+$0x0] =	vst.idx.add.f32.msk @!p1 vm4, v3  }
0x17f: {  	s4 =	simm.s32 $0x80;
	s3 =	simm.s32 $0x40;
	[tilespmem:v4+s5+$0x0] =	vst.idx.add.f32.msk @!p1 vm5, v3  }
.LBB2_7:
0x180: {  	s7 =	sshra.s32 s3, $0x2;
	[tilespmem:v4+s5+$0x0] =	vst.idx.add.f32.msk @!p1 vm1, v3;
	s6 =	smov.u32 s4;
	s4 =	sadd.s32 $0x40, s4  }
0x181: {  	p2 =	sne.s32 s4, $0x8240;
	[tilespmem:v4+s5+$0x0] =	vst.idx.add.f32.msk @!p1 vm15, v3  }
0x182: {  	v3 =	vld [tilespmem:s7+$0xE3F0]  }
0x183: {  	v4 =	vld [tilespmem:s7+$0xC360];
	_ =	sdelay $0x3  }
0x184: {  	v3 =	vadd.s32 $0xFFFF9E58, v3;
	_ =	sdelay $0x3  }
0x185: {  	v4 =	vld.idx.msk [tilespmem:v4+s8+$0x0], $0xffff  }
0x186: {  	v3 =	vld.idx.msk [tilespmem:v3+s29+$0x0], $0xffff;
	_ =	sdelay $0x5  }
0x187: {  	v5 =	vor.u32 v4, v3  }
0x188: {  	vm0 =	vgt.s32 v5, $0xFFFFFFFF  }
0x189: {  	v6 =	vsel vm0, $0x1, v2  }
0x18a: {  	(xrf0) =	vadd.scan.msk.s32 $0xffff, v6;
	_ =	sdelay $0x5  }
0x18b: {  	v6, _, _ =	vpop (xrf0)  }
0x18c: {  	(v2sf) =	vpush v6, $0xF;
	_ =	sdelay $0xe  }
0x18d: {  	s5 =	spop (v2sf)  }
0x18e: {  	p1 =	slt.s32 s5, $0x1  }
0x18f: {  	vm15 =	vgt.s32 @!p1 v5, $0xFFFFFFFF;
	s5 =	sshra.s32 @!p1 s3, $0x2;
	v5 =	vshll.u32 @!p1 v3, $0x7;
	vm0 =	vmmov @!p1 $0x1;
	s3 =	smov.u32 s6  }
0x190: {  	vm2 =	vcmask @!p1 $0xB08;
	vm1 =	vmand @!p1 vm15, vm0;
	vm0 =	vcmask @!p1 $0x704  }
0x191: {  	v4 =	vadd.s32 @!p1 v4, v5;
	vm2 =	vmand @!p1 vm15, vm2;
	v3 =	vld @!p1 [tilespmem:s5+$0x10480];
	vm3 =	vmand @!p1 vm15, vm0  }
0x192: {  	vm4 =	vcmask @!p1 $0x1310;
	vm5 =	vcmask @!p1 $0x1714;
	vm0 =	vcmask @!p1 $0xF0C  }
0x193: {  	vm4 =	vmand @!p1 vm15, vm4;
	vm6 =	vmand @!p1 vm15, vm0;
	vm0 =	vmand @!p1 vm15, vm5  }
0x194: {  	vm7 =	vcmask @!p1 $0x1F1C;
	vm8 =	vcmask @!p1 $0x2320;
	vm5 =	vcmask @!p1 $0x1B18  }
0x195: {  	vm9 =	vcmask @!p1 $0x2724;
	vm7 =	vmand @!p1 vm15, vm7;
	s5 =	simm.s32 @!p1 $0x12510;
	vm5 =	vmand @!p1 vm15, vm5  }
0x196: {  	vm8 =	vmand @!p1 vm15, vm8;
	vm9 =	vmand @!p1 vm15, vm9;
	[tilespmem:v4+s5+$0x0] =	vst.idx.add.f32.msk @!p1 vm1, v3;
	vm1 =	vcmask @!p1 $0x2B28  }
0x197: {  	vm10 =	vcmask @!p1 $0x3330;
	[tilespmem:v4+s5+$0x0] =	vst.idx.add.f32.msk @!p1 vm3, v3;
	vm3 =	vmand @!p1 vm15, vm1;
	vm1 =	vcmask @!p1 $0x2F2C  }
0x198: {  	vm10 =	vmand @!p1 vm15, vm10;
	[tilespmem:v4+s5+$0x0] =	vst.idx.add.f32.msk @!p1 vm2, v3;
	vm2 =	vmand @!p1 vm15, vm1;
	vm1 =	vcmask @!p1 $0x3734  }
0x199: {  	vm11 =	vcmask @!p1 $0x3F3C;
	[tilespmem:v4+s5+$0x0] =	vst.idx.add.f32.msk @!p1 vm6, v3;
	vm6 =	vmand @!p1 vm15, vm1;
	vm1 =	vcmask @!p1 $0x3B38  }
0x19a: {  	[tilespmem:v4+s5+$0x0] =	vst.idx.add.f32.msk @!p1 vm4, v3;
	vm1 =	vmand @!p1 vm15, vm1;
	vm15 =	vmand @!p1 vm15, vm11  }
0x19b: {  	[tilespmem:v4+s5+$0x0] =	vst.idx.add.f32.msk @!p1 vm0, v3  }
0x19c: {  	[tilespmem:v4+s5+$0x0] =	vst.idx.add.f32.msk @!p1 vm5, v3  }
0x19d: {  	[tilespmem:v4+s5+$0x0] =	vst.idx.add.f32.msk @!p1 vm7, v3  }
0x19e: {  	[tilespmem:v4+s5+$0x0] =	vst.idx.add.f32.msk @!p1 vm8, v3  }
.Ltmp2:
0x19f: {  	[tilespmem:v4+s5+$0x0] =	vst.idx.add.f32.msk @!p1 vm9, v3;
	(pc) =	sbr.rel @p2 .LBB2_7-.Ltmp2, $4  }
0x1a0: {  	[tilespmem:v4+s5+$0x0] =	vst.idx.add.f32.msk @!p1 vm3, v3  }
0x1a1: {  	[tilespmem:v4+s5+$0x0] =	vst.idx.add.f32.msk @!p1 vm2, v3  }
0x1a2: {  	[tilespmem:v4+s5+$0x0] =	vst.idx.add.f32.msk @!p1 vm10, v3  }
0x1a3: {  	[tilespmem:v4+s5+$0x0] =	vst.idx.add.f32.msk @!p1 vm6, v3  }
0x1a4: {  	_ =	sdelay $0x4  }
0x1a5: {  	[tilespmem:v4+s5+$0x0] =	vst.idx.add.f32.msk @!p1 vm1, v3  }
0x1a6: {  	s4 =	sshra.s32 s3, $0x2;
	[tilespmem:v4+s5+$0x0] =	vst.idx.add.f32.msk @!p1 vm15, v3  }
0x1a7: {  	v3 =	vld [tilespmem:s4+$0xE3F0]  }
0x1a8: {  	v4 =	vld [tilespmem:s4+$0xC360];
	_ =	sdelay $0x3  }
0x1a9: {  	v3 =	vadd.s32 $0xFFFF9E58, v3;
	_ =	sdelay $0x3  }
0x1aa: {  	v4 =	vld.idx.msk [tilespmem:v4+s8+$0x0], $0xffff  }
0x1ab: {  	v3 =	vld.idx.msk [tilespmem:v3+s29+$0x0], $0xffff;
	_ =	sdelay $0x4  }
0x1ac: {  	v5 =	vor.u32 v4, v3  }
0x1ad: {  	vm0 =	vgt.s32 v5, $0xFFFFFFFF  }
0x1ae: {  	v6 =	vsel vm0, $0x1, v2  }
0x1af: {  	(xrf0) =	vadd.scan.msk.s32 $0xffff, v6;
	_ =	sdelay $0x5  }
0x1b0: {  	v6, _, _ =	vpop (xrf0)  }
0x1b1: {  	(v2sf) =	vpush v6, $0xF;
	_ =	sdelay $0xe  }
0x1b2: {  	s25 =	spop (v2sf)  }
0x1b3: {  	p1 =	slt.s32 s25, $0x1  }
0x1b4: {  	vm15 =	vgt.s32 @!p1 v5, $0xFFFFFFFF;
	vm0 =	vmmov @!p1 $0x1  }
0x1b5: {  	s3 =	sshra.s32 @!p1 s3, $0x2;
	v3 =	vshll.u32 @!p1 v3, $0x7;
	vm1 =	vcmask @!p1 $0x704;
	vm0 =	vmand @!p1 vm15, vm0  }
0x1b6: {  	vm2 =	vcmask @!p1 $0xB08;
	v5 =	vld @!p1 [tilespmem:s3+$0x10480];
	v3 =	vadd.s32 @!p1 v4, v3;
	vm1 =	vmand @!p1 vm15, vm1  }
0x1b7: {  	vm3 =	vcmask @!p1 $0xF0C;
	vm2 =	vmand @!p1 vm15, vm2  }
0x1b8: {  	vm4 =	vcmask @!p1 $0x1310;
	vm3 =	vmand @!p1 vm15, vm3  }
0x1b9: {  	vm5 =	vcmask @!p1 $0x1714;
	vm4 =	vmand @!p1 vm15, vm4  }
0x1ba: {  	vm6 =	vcmask @!p1 $0x1B18;
	vm5 =	vmand @!p1 vm15, vm5;
	s3 =	simm.s32 @!p1 $0x12510  }
0x1bb: {  	vm7 =	vcmask @!p1 $0x1F1C;
	vm6 =	vmand @!p1 vm15, vm6;
	[tilespmem:v3+s3+$0x0] =	vst.idx.add.f32.msk @!p1 vm0, v5  }
0x1bc: {  	vm7 =	vmand @!p1 vm15, vm7;
	vm0 =	vcmask @!p1 $0x2320;
	[tilespmem:v3+s3+$0x0] =	vst.idx.add.f32.msk @!p1 vm1, v5  }
0x1bd: {  	vm1 =	vcmask @!p1 $0x2724;
	vm0 =	vmand @!p1 vm15, vm0;
	[tilespmem:v3+s3+$0x0] =	vst.idx.add.f32.msk @!p1 vm2, v5  }
0x1be: {  	vm1 =	vmand @!p1 vm15, vm1;
	vm2 =	vcmask @!p1 $0x2B28;
	[tilespmem:v3+s3+$0x0] =	vst.idx.add.f32.msk @!p1 vm3, v5  }
0x1bf: {  	vm2 =	vmand @!p1 vm15, vm2;
	vm3 =	vcmask @!p1 $0x2F2C;
	[tilespmem:v3+s3+$0x0] =	vst.idx.add.f32.msk @!p1 vm4, v5  }
0x1c0: {  	vm4 =	vcmask @!p1 $0x3330;
	vm3 =	vmand @!p1 vm15, vm3;
	[tilespmem:v3+s3+$0x0] =	vst.idx.add.f32.msk @!p1 vm5, v5  }
0x1c1: {  	vm4 =	vmand @!p1 vm15, vm4;
	vm5 =	vcmask @!p1 $0x3734;
	[tilespmem:v3+s3+$0x0] =	vst.idx.add.f32.msk @!p1 vm6, v5  }
0x1c2: {  	vm5 =	vmand @!p1 vm15, vm5;
	vm6 =	vcmask @!p1 $0x3B38;
	[tilespmem:v3+s3+$0x0] =	vst.idx.add.f32.msk @!p1 vm7, v5  }
0x1c3: {  	vm7 =	vcmask @!p1 $0x3F3C;
	vm6 =	vmand @!p1 vm15, vm6;
	[tilespmem:v3+s3+$0x0] =	vst.idx.add.f32.msk @!p1 vm0, v5  }
0x1c4: {  	s2 =	sadd.s32 $0x1, s2;
	vm0 =	vmand @!p1 vm15, vm7;
	[tilespmem:v3+s3+$0x0] =	vst.idx.add.f32.msk @!p1 vm1, v5  }
0x1c5: {  	p2 =	sne.s32 s2, $0x3;
	[tilespmem:v3+s3+$0x0] =	vst.idx.add.f32.msk @!p1 vm2, v5  }
.Ltmp3:
0x1c6: {  	[tilespmem:v3+s3+$0x0] =	vst.idx.add.f32.msk @!p1 vm3, v5;
	(pc) =	sbr.rel @p2 .LBB2_6-.Ltmp3, $4  }
0x1c7: {  	[tilespmem:v3+s3+$0x0] =	vst.idx.add.f32.msk @!p1 vm4, v5  }
0x1c8: {  	[tilespmem:v3+s3+$0x0] =	vst.idx.add.f32.msk @!p1 vm5, v5  }
0x1c9: {  	[tilespmem:v3+s3+$0x0] =	vst.idx.add.f32.msk @!p1 vm6, v5  }
0x1ca: {  	[tilespmem:v3+s3+$0x0] =	vst.idx.add.f32.msk @!p1 vm0, v5  }
0x1cb: {  	[hbm4b:s21+s8] =	stream.linear.scatter [tilespmem:s10], [sflag:$0x2], $0x4000, $0x38;
	[tilespmem:$0x18790] =	vst v63  }
0x1cc: {  	_ =	swait.ge [sflag:s24], $0x4000  }
0x1cd: {  	s2 =	simm.s32 @!p0 $0x80;
	[sflag:s24] =	ssyncset.done $0x0  }
0x1ce: {  	s3 =	simm.s32 @!p0 $0x16510;
	s4 =	simm.s32 @!p0 $0x16790;
	[sflag:s24] =	ssyncadd.s32 $0xFFFFC000  }
0x1cf: {  	[tilespmem:s4], [sflag:$0x1] =	stream.indirect.gather @!p0 [hbm4b:s14+s2], $0x40, s3, s2, $0xb8;
	[tilespmem:$0x18790] =	vst v63  }
0x1d0: {  	s3 =	simm.s32 @!p0 $0x1  }
0x1d1: {  	_ =	swait.ge @!p0 [sflag:s3], $0x2000  }
0x1d2: {  	[sflag:s3] =	ssyncset.done @!p0 $0x0  }
0x1d3: {  	[sflag:s3] =	ssyncadd.s32 @!p0 $0xFFFFE000  }
0x1d4: {  	s5 =	simm.s32 @!p0 $0x0;
	s6 =	rddreg [dreg:$0x6]  }
0x1d5: {  	[hbm4b:s6+s5] =	stream.linear.scatter @!p0 [tilespmem:s4], [sflag:$0x2], $0x2000, $0x38;
	[tilespmem:$0x18790] =	vst v63  }
0x1d6: {  	s6 =	simm.s32 @!p0 $0x2  }
0x1d7: {  	_ =	swait.ge @!p0 [sflag:s6], $0x2000  }
0x1d8: {  	[sflag:s6] =	ssyncset.done @!p0 $0x0  }
0x1d9: {  	s7 =	simm.s32 @!p0 $0x16590;
	[sflag:s6] =	ssyncadd.s32 @!p0 $0xFFFFE000  }
0x1da: {  	[tilespmem:s4], [sflag:$0x1] =	stream.indirect.gather @!p0 [hbm4b:s15+s2], $0x40, s7, s2, $0xb8;
	[tilespmem:$0x18790] =	vst v63  }
0x1db: {  	_ =	swait.ge @!p0 [sflag:s3], $0x2000  }
0x1dc: {  	[sflag:s3] =	ssyncset.done @!p0 $0x0  }
0x1dd: {  	[sflag:s3] =	ssyncadd.s32 @!p0 $0xFFFFE000  }
0x1de: {  	s23 =	rddreg [dreg:$0x7]  }
0x1df: {  	[hbm4b:s23+s5] =	stream.linear.scatter @!p0 [tilespmem:s4], [sflag:$0x2], $0x2000, $0x38;
	[tilespmem:$0x18790] =	vst v63  }
0x1e0: {  	_ =	swait.ge @!p0 [sflag:s6], $0x2000  }
0x1e1: {  	[sflag:s6] =	ssyncset.done @!p0 $0x0  }
0x1e2: {  	[sflag:s6] =	ssyncadd.s32 @!p0 $0xFFFFE000  }
0x1e3: {  	s23 =	simm.s32 @!p0 $0x16710;
	s25 =	rddreg [dreg:$0x4]  }
0x1e4: {  	[tilespmem:s23], [sflag:$0x1] =	stream.indirect.gather @!p0 [hbm4b:s25+s2], $0x1, s7, s2, $0xb8;
	[tilespmem:$0x18790] =	vst v63  }
0x1e5: {  	_ =	swait.ge @!p0 [sflag:s3], $0x80  }
0x1e6: {  	[sflag:s3] =	ssyncset.done @!p0 $0x0  }
0x1e7: {  	[sflag:s3] =	ssyncadd.s32 @!p0 $0xFFFFFF80  }
0x1e8: {  	[tilespmem:s4], [sflag:$0x1] =	stream.indirect.gather @!p0 [hbm4b:s16+s2], $0x40, s23, s2, $0xb8;
	[tilespmem:$0x18790] =	vst v63  }
0x1e9: {  	_ =	swait.ge @!p0 [sflag:s3], $0x2000  }
0x1ea: {  	[sflag:s3] =	ssyncset.done @!p0 $0x0  }
0x1eb: {  	[sflag:s3] =	ssyncadd.s32 @!p0 $0xFFFFE000  }
0x1ec: {  	[hbm4b:s18+s5] =	stream.linear.scatter @!p0 [tilespmem:s4], [sflag:$0x2], $0x2000, $0x38;
	[tilespmem:$0x18790] =	vst v63  }
0x1ed: {  	_ =	swait.ge @!p0 [sflag:s6], $0x2000  }
0x1ee: {  	[sflag:s6] =	ssyncset.done @!p0 $0x0  }
0x1ef: {  	[sflag:s6] =	ssyncadd.s32 @!p0 $0xFFFFE000  }
0x1f0: {  	s25 =	rddreg [dreg:$0x5]  }
0x1f1: {  	[tilespmem:s23], [sflag:$0x1] =	stream.indirect.gather @!p0 [hbm4b:s25+s2], $0x1, s7, s2, $0xb8;
	[tilespmem:$0x18790] =	vst v63  }
0x1f2: {  	_ =	swait.ge @!p0 [sflag:s3], $0x80  }
0x1f3: {  	[sflag:s3] =	ssyncset.done @!p0 $0x0  }
0x1f4: {  	[sflag:s3] =	ssyncadd.s32 @!p0 $0xFFFFFF80  }
0x1f5: {  	[tilespmem:s4], [sflag:$0x1] =	stream.indirect.gather @!p0 [hbm4b:s17+s2], $0x40, s23, s2, $0xb8;
	[tilespmem:$0x18790] =	vst v63  }
0x1f6: {  	s0 =	sadd.s32 $0x1, s0;
	_ =	swait.ge @!p0 [sflag:s3], $0x2000  }
0x1f7: {  	p1 =	sne.s32 s0, s22;
	[sflag:s3] =	ssyncset.done @!p0 $0x0  }
.Ltmp4:
0x1f8: {  	[sflag:s3] =	ssyncadd.s32 @!p0 $0xFFFFE000;
	(pc) =	sbr.rel @p1 .LBB2_1-.Ltmp4, $4  }
0x1f9: {  	[hbm4b:s19+s5] =	stream.linear.scatter @!p0 [tilespmem:s4], [sflag:$0x2], $0x2000, $0x38;
	[tilespmem:$0x18790] =	vst v63  }
0x1fa: {  	_ =	swait.ge @!p0 [sflag:s6], $0x2000  }
0x1fb: {  	[sflag:s6] =	ssyncset.done @!p0 $0x0  }
0x1fc: {  	[sflag:s6] =	ssyncadd.s32 @!p0 $0xFFFFE000  }
0x1fd: {  	_ =	sfence.sel $0x180000  }
0x1fe: {  	[bflag:$0x0] =	sbarrier.arrive $0xFFFF  }
0x1ff: {  	_ =	strace $0x90000047  }
0x200: {  	s0 =	stileid.u32;
	[bflag:$0x2] =	sbarrier.arrive $0xFFFF  }
0x201: {  	p0 =	sne.s32 s0, $0x0;
	s0 =	rddreg [dreg:$0x8]  }
0x202: {  	s0 =	sadd.s32 @!p0 $0x100000, s0  }
0x203: {  	[sflag:s0] =	ssyncadd.tile.s32 @!p0 $0x1;
	_ =	shalt  }
.Lfunc_end2:
_tile_overlayer_lowered:
.L_overlay_start_2:
0x204: {  	(tag) =	ssettag $0x2  }
0x205: {  	s0 =	rddreg [dreg:$0x0];
	s2 =	stileid.u32  }
0x206: {  	s1 =	rddreg [dreg:$0x1];
	p0 =	sne.s32 s2, $0x0  }
0x207: {  	s3 =	rddreg [dreg:$0x2];
	[bflag:$0x3] =	sbarrier.arrive $0xFFFF;
	s2 =	simm.s32 @!p0 $0x1C02  }
0x208: {  	[timem:s3], [sflag:s2] =	dma.local @!p0 [hbm:s0], s1  }
0x209: {  	s0 =	simm.s32 @!p0 $0x2  }
0x20a: {  	_ =	swait.ge @!p0 [sflag:s0], s1  }
0x20b: {  	s1 =	ssub.s32 @!p0 $0x0, s1;
	[sflag:s0] =	ssyncset.done @!p0 $0x0  }
0x20c: {  	[sflag:s0] =	ssyncadd.s32 @!p0 s1  }
0x20d: {  	[bflag:$0x3] =	sbarrier.arrive $0xFFFF  }
0x20e: {  	_ =	shalt  }

</sc_bundles>
